<compile_context>
chip_gen: v7x
topology: tpu7x:2x2x1
jax: 0.10.2.dev20260603
libtpu: 0.0.44.dev20260713+nightly
codegen_flags: <defaults>
</compile_context>

<pallas_src>
import functools

import jax
import jax.numpy as jnp
from jax import lax
from jax.experimental import pallas as pl
from jax.experimental.pallas import tpu as pltpu
from jax.experimental.pallas import tpu_sc as plsc

N = 10000
E = 320000
D = 128
LANES = 16
NC = 2
NS = 16
NW = NC * NS

CHUNK = 128
NCHUNK = 80
T_E = CHUNK * NCHUNK
EPAD = T_E * NW
NPAD = 10240
ROWS_PER_TILE = NPAD // NS
ZROWS = 128


def _mm_body(x_ref, w_ref, b_ref, o_ref):
    o_ref[...] = (
        jnp.dot(x_ref[...], w_ref[...], preferred_element_type=jnp.float32)
        + b_ref[...]
    )


def _matmul(x, W, b):
    return pl.pallas_call(
        _mm_body,
        grid=(10,),
        in_specs=[
            pl.BlockSpec((N // 10, D), lambda i: (i, 0)),
            pl.BlockSpec((D, D), lambda i: (0, 0)),
            pl.BlockSpec((1, D), lambda i: (0, 0)),
        ],
        out_specs=pl.BlockSpec((N // 10, D), lambda i: (i, 0)),
        out_shape=jax.ShapeDtypeStruct((N, D), jnp.float32),
    )(x, W, b.reshape(1, D))


GRP = 16
NGRP = NCHUNK // GRP
PREFETCH_CL = 2


def _sc_body(h_hbm, src_hbm, dst_hbm, w_hbm, out_hbm,
             src_v, dst_v, w_v, rows_v, acc_sh, gsem, ssem0, ssem1, isem):
    c = lax.axis_index("c")
    s = lax.axis_index("s")
    tile = c * NS + s

    def zrow(j, carry):
        for f in range(D // LANES):
            rows_v[0, j, pl.ds(f * LANES, LANES)] = jnp.zeros((LANES,), jnp.float32)
        return carry

    lax.fori_loop(0, ZROWS, zrow, 0)
    row0 = s * ROWS_PER_TILE
    for i in range(ROWS_PER_TILE // ZROWS):
        pltpu.sync_copy(rows_v.at[0], acc_sh.at[pl.ds(row0 + i * ZROWS, ZROWS)])
    plsc.subcore_barrier()

    base = tile * NCHUNK

    def idx_prefetch(g):
        ib = lax.rem(g, 2)
        off = base + g * GRP
        pltpu.async_copy(src_hbm.at[pl.ds(off, GRP)], src_v.at[ib], isem)
        pltpu.async_copy(dst_hbm.at[pl.ds(off, GRP)], dst_v.at[ib], isem)
        pltpu.async_copy(w_hbm.at[pl.ds(off, GRP)], w_v.at[ib], isem)

    def idx_drain():
        ib0 = 0
        pltpu.make_async_copy(src_hbm.at[pl.ds(base, GRP)], src_v.at[ib0], isem).wait()
        pltpu.make_async_copy(dst_hbm.at[pl.ds(base, GRP)], dst_v.at[ib0], isem).wait()
        pltpu.make_async_copy(w_hbm.at[pl.ds(base, GRP)], w_v.at[ib0], isem).wait()

    def scatter_wait(parity_sem):
        pltpu.make_async_copy(
            rows_v.at[0], acc_sh.at[dst_v.at[0, 0]], parity_sem).wait()

    idx_prefetch(0)
    idx_drain()
    pltpu.async_copy(h_hbm.at[src_v.at[0, 0]], rows_v.at[0], gsem)

    def chunk_step(ci, carry):
        p = lax.rem(ci, 2)
        pn = 1 - p
        g = lax.div(ci, GRP)
        cl = lax.rem(ci, GRP)
        ib = lax.rem(g, 2)

        @pl.when(jnp.logical_and(cl == PREFETCH_CL, g < NGRP - 1))
        def _():
            idx_prefetch(g + 1)

        @pl.when(jnp.logical_and(cl == GRP - 1, g < NGRP - 1))
        def _():
            idx_drain()

        @pl.when(ci + 1 < NCHUNK)
        def _():
            @pl.when(ci >= 1)
            def _():
                @pl.when(pn == 0)
                def _():
                    scatter_wait(ssem0)

                @pl.when(pn == 1)
                def _():
                    scatter_wait(ssem1)

            nci = ci + 1
            ng = lax.div(nci, GRP)
            ncl = lax.rem(nci, GRP)
            nib = lax.rem(ng, 2)
            pltpu.async_copy(h_hbm.at[src_v.at[nib, ncl]], rows_v.at[pn], gsem)

        pltpu.make_async_copy(
            h_hbm.at[src_v.at[0, 0]], rows_v.at[0], gsem).wait()

        def group_body(gg, acc2):
            wvec = w_v[ib, cl, pl.ds(gg * LANES, LANES)]
            for t in range(LANES):
                wj = wvec[t]
                j = gg * LANES + t
                for f in range(D // LANES):
                    sl = pl.ds(f * LANES, LANES)
                    rows_v[p, j, sl] = rows_v[p, j, sl] * wj
            return acc2


        @pl.when(p == 0)
        def _():
            pltpu.async_copy(rows_v.at[0], acc_sh.at[dst_v.at[ib, cl]], ssem0,
                             add=True)

        @pl.when(p == 1)
        def _():
            pltpu.async_copy(rows_v.at[1], acc_sh.at[dst_v.at[ib, cl]], ssem1,
                             add=True)

        return carry

    lax.fori_loop(0, NCHUNK, chunk_step, 0)
    scatter_wait(ssem0)
    scatter_wait(ssem1)
    plsc.subcore_barrier()

    for i in range(ROWS_PER_TILE // ZROWS):
        pltpu.sync_copy(acc_sh.at[pl.ds(row0 + i * ZROWS, ZROWS)], rows_v.at[0])
        pltpu.sync_copy(rows_v.at[0], out_hbm.at[c, pl.ds(row0 + i * ZROWS, ZROWS)])


_sc_spmm = functools.partial(
    pl.kernel,
    _sc_body,
    out_type=jax.ShapeDtypeStruct((NC, NPAD, D), jnp.float32),
    mesh=plsc.VectorSubcoreMesh(core_axis_name="c", subcore_axis_name="s"),
    scratch_types=[
        pltpu.VMEM((2, GRP, CHUNK), jnp.int32),
        pltpu.VMEM((2, GRP, CHUNK), jnp.int32),
        pltpu.VMEM((2, GRP, CHUNK), jnp.float32),
        pltpu.VMEM((2, CHUNK, D), jnp.float32),
        pltpu.VMEM_SHARED((NPAD, D), jnp.float32),
        pltpu.SemaphoreType.DMA,
        pltpu.SemaphoreType.DMA,
        pltpu.SemaphoreType.DMA,
        pltpu.SemaphoreType.DMA,
    ],
)()


def _comb_body(p_ref, o_ref):
    o_ref[...] = jnp.maximum(p_ref[0] + p_ref[1], 0.0)


def _combine(partials):
    return pl.pallas_call(
        _comb_body,
        grid=(10,),
        in_specs=[pl.BlockSpec((NC, N // 10, D), lambda i: (0, i, 0))],
        out_specs=pl.BlockSpec((N // 10, D), lambda i: (i, 0)),
        out_shape=jax.ShapeDtypeStruct((N, D), jnp.float32),
    )(partials)


def kernel(x, edge_index, edge_weight, W, b):
    pad = EPAD - E
    src = jnp.concatenate([edge_index[0], jnp.zeros((pad,), jnp.int32)])
    dst = jnp.concatenate([edge_index[1], jnp.zeros((pad,), jnp.int32)])
    w = jnp.concatenate([edge_weight, jnp.zeros((pad,), jnp.float32)])
    src = src.reshape(EPAD // CHUNK, CHUNK)
    dst = dst.reshape(EPAD // CHUNK, CHUNK)
    w = w.reshape(EPAD // CHUNK, CHUNK)

    h = _matmul(x, W, b)
    partials = _sc_spmm(h, src, dst, w)
    return _combine(partials)

# --- scband reference (transcript-rebuilt; emitter-appended) ---
"""Pipeline reference for scband-gnn-conv-28836410425908 (READ-ONLY COPY).

The authoritative reference and input builder live on the scoring server;
editing this copy changes nothing except your own understanding.
"""

import jax, jax.numpy as jnp
import numpy as np

N = 10000
E = 320000
D_IN = 128
D_OUT = 128


def setup_inputs(seed: int = 0) -> dict:
    key = jax.random.key(seed)
    k1, k2, k3, k4, k5 = jax.random.split(key, 5)
    x = jax.random.normal(k1, (N, D_IN), dtype=jnp.float32)
    edge_index = jax.random.randint(k2, (2, E), 0, N, dtype=jnp.int32)
    edge_weight = jax.random.uniform(k3, (E,), dtype=jnp.float32)
    stdv = 1.0 / np.sqrt(D_OUT)
    W = jax.random.uniform(k4, (D_IN, D_OUT), dtype=jnp.float32, minval=-stdv, maxval=stdv)
    b = jax.random.uniform(k5, (D_OUT,), dtype=jnp.float32, minval=-stdv, maxval=stdv)
    return {"x": x, "edge_index": edge_index, "edge_weight": edge_weight, "W": W, "b": b}


def reference(x, edge_index, edge_weight, W, b):
    # x = x.matmul(self.weight) + self.bias
    h = jnp.matmul(x, W) + b
    # x = torch.sparse.mm(norm_GG, x)  -- sparse (N,N) matrix in COO form:
    # out[dst] += edge_weight[e] * h[src]
    src = edge_index[0]
    dst = edge_index[1]
    msg = jnp.take(h, src, axis=0) * edge_weight[:, None]
    out = jax.ops.segment_sum(msg, dst, num_segments=x.shape[0])
    # activation
    out = jax.nn.relu(out)
    return out

if __name__ == "__main__":
    import jax
    _d = setup_inputs()
    print(jax.jit(kernel)(*tuple(_d.values())))

</pallas_src>

<mosaic_0001>
#map = affine_map<(d0, d1) -> (0, 0)>
#map1 = affine_map<(d0, d1) -> (0, 0, 0)>
module attributes {stable_mosaic.version = 14 : i64} {
  func.func @_sc_body(%arg0: i32, %arg1: i32, %arg2: memref<10000x128xf32, #tpu.memory_space<hbm>>, %arg3: memref<2560x128xi32, #tpu.memory_space<hbm>>, %arg4: memref<2560x128xi32, #tpu.memory_space<hbm>>, %arg5: memref<2560x128xf32, #tpu.memory_space<hbm>>, %arg6: memref<2x10240x128xf32, #tpu.memory_space<hbm>>, %arg7: memref<2x16x128xi32, #tpu.memory_space<vmem>>, %arg8: memref<2x16x128xi32, #tpu.memory_space<vmem>>, %arg9: memref<2x16x128xf32, #tpu.memory_space<vmem>>, %arg10: memref<2x128x128xf32, #tpu.memory_space<vmem>>, %arg11: memref<10240x128xf32, #tpu.memory_space<vmem_shared>>, %arg12: memref<!tpu.dma_semaphore, #tpu.memory_space<semaphore_mem>>, %arg13: memref<!tpu.dma_semaphore, #tpu.memory_space<semaphore_mem>>, %arg14: memref<!tpu.dma_semaphore, #tpu.memory_space<semaphore_mem>>, %arg15: memref<!tpu.dma_semaphore, #tpu.memory_space<semaphore_mem>>) attributes {dimension_semantics = [#tpu.dimension_semantics<core_parallel>, #tpu.dimension_semantics<subcore_parallel>], iteration_bounds = array<i64: 2, 16>, scalar_prefetch = 0 : i64, scratch_operands = 9 : i64, tpu.core_type = #tpu.core_type<sc_vector_subcore>, window_params = [{transform_indices = #map}, {transform_indices = #map}, {transform_indices = #map}, {transform_indices = #map}, {transform_indices = #map1}]} {
    %mul3A = arith.constant 16 : i32
    %mul3A_0 = arith.muli %arg0, %mul3A : i32
    %add3A = arith.addi %mul3A_0, %arg1 : i32
    %scan3A = arith.constant 0 : i32
    %scan3A_1 = arith.constant 0 : i32
    %scan3A_2 = arith.constant 128 : i32
    %scan3A_3 = arith.addi %scan3A_1, %scan3A_2 : i32
    %scan3A_4 = arith.constant 1 : i32
    scf.for %scan3A_177 = %scan3A_1 to %scan3A_3 step %scan3A_4  : i32 {
      %broadcast_in_dim3A = arith.constant 0.000000e+00 : f32
      %broadcast_in_dim3A_178 = vector.broadcast %broadcast_in_dim3A : f32 to vector<16xf32>
      %swap3A = arith.constant 0 : i32
      %swap3A_179 = arith.index_cast %swap3A : i32 to index
      %swap3A_180 = arith.index_cast %scan3A_177 : i32 to index
      %swap3A_181 = arith.constant 0 : index
      %swap3A_182 = tpu.vector_load %arg10[%swap3A_179, %swap3A_180, %swap3A_181] {strides = array<i32>} : memref<2x128x128xf32, #tpu.memory_space<vmem>>, vector<1x1x16xf32>,
      %swap3A_183 = vector.shape_cast %swap3A_182 : vector<1x1x16xf32> to vector<16xf32>
      %swap3A_184 = vector.shape_cast %broadcast_in_dim3A_178 : vector<16xf32> to vector<1x1x16xf32>
      tpu.vector_store %arg10[%swap3A_179, %swap3A_180, %swap3A_181], %swap3A_184 {strides = array<i32>} : memref<2x128x128xf32, #tpu.memory_space<vmem>>, vector<1x1x16xf32>,
      %broadcast_in_dim3A_185 = arith.constant 0.000000e+00 : f32
      %broadcast_in_dim3A_186 = vector.broadcast %broadcast_in_dim3A_185 : f32 to vector<16xf32>
      %swap3A_187 = arith.constant 0 : i32
      %swap3A_188 = arith.index_cast %swap3A_187 : i32 to index
      %swap3A_189 = arith.index_cast %scan3A_177 : i32 to index
      %swap3A_190 = arith.constant 16 : index
      %swap3A_191 = tpu.vector_load %arg10[%swap3A_188, %swap3A_189, %swap3A_190] {strides = array<i32>} : memref<2x128x128xf32, #tpu.memory_space<vmem>>, vector<1x1x16xf32>,
      %swap3A_192 = vector.shape_cast %swap3A_191 : vector<1x1x16xf32> to vector<16xf32>
      %swap3A_193 = vector.shape_cast %broadcast_in_dim3A_186 : vector<16xf32> to vector<1x1x16xf32>
      tpu.vector_store %arg10[%swap3A_188, %swap3A_189, %swap3A_190], %swap3A_193 {strides = array<i32>} : memref<2x128x128xf32, #tpu.memory_space<vmem>>, vector<1x1x16xf32>,
      %broadcast_in_dim3A_194 = arith.constant 0.000000e+00 : f32
      %broadcast_in_dim3A_195 = vector.broadcast %broadcast_in_dim3A_194 : f32 to vector<16xf32>
      %swap3A_196 = arith.constant 0 : i32
      %swap3A_197 = arith.index_cast %swap3A_196 : i32 to index
      %swap3A_198 = arith.index_cast %scan3A_177 : i32 to index
      %swap3A_199 = arith.constant 32 : index
      %swap3A_200 = tpu.vector_load %arg10[%swap3A_197, %swap3A_198, %swap3A_199] {strides = array<i32>} : memref<2x128x128xf32, #tpu.memory_space<vmem>>, vector<1x1x16xf32>,
      %swap3A_201 = vector.shape_cast %swap3A_200 : vector<1x1x16xf32> to vector<16xf32>
      %swap3A_202 = vector.shape_cast %broadcast_in_dim3A_195 : vector<16xf32> to vector<1x1x16xf32>
      tpu.vector_store %arg10[%swap3A_197, %swap3A_198, %swap3A_199], %swap3A_202 {strides = array<i32>} : memref<2x128x128xf32, #tpu.memory_space<vmem>>, vector<1x1x16xf32>,
      %broadcast_in_dim3A_203 = arith.constant 0.000000e+00 : f32
      %broadcast_in_dim3A_204 = vector.broadcast %broadcast_in_dim3A_203 : f32 to vector<16xf32>
      %swap3A_205 = arith.constant 0 : i32
      %swap3A_206 = arith.index_cast %swap3A_205 : i32 to index
      %swap3A_207 = arith.index_cast %scan3A_177 : i32 to index
      %swap3A_208 = arith.constant 48 : index
      %swap3A_209 = tpu.vector_load %arg10[%swap3A_206, %swap3A_207, %swap3A_208] {strides = array<i32>} : memref<2x128x128xf32, #tpu.memory_space<vmem>>, vector<1x1x16xf32>,
      %swap3A_210 = vector.shape_cast %swap3A_209 : vector<1x1x16xf32> to vector<16xf32>
      %swap3A_211 = vector.shape_cast %broadcast_in_dim3A_204 : vector<16xf32> to vector<1x1x16xf32>
      tpu.vector_store %arg10[%swap3A_206, %swap3A_207, %swap3A_208], %swap3A_211 {strides = array<i32>} : memref<2x128x128xf32, #tpu.memory_space<vmem>>, vector<1x1x16xf32>,
      %broadcast_in_dim3A_212 = arith.constant 0.000000e+00 : f32
      %broadcast_in_dim3A_213 = vector.broadcast %broadcast_in_dim3A_212 : f32 to vector<16xf32>
      %swap3A_214 = arith.constant 0 : i32
      %swap3A_215 = arith.index_cast %swap3A_214 : i32 to index
      %swap3A_216 = arith.index_cast %scan3A_177 : i32 to index
      %swap3A_217 = arith.constant 64 : index
      %swap3A_218 = tpu.vector_load %arg10[%swap3A_215, %swap3A_216, %swap3A_217] {strides = array<i32>} : memref<2x128x128xf32, #tpu.memory_space<vmem>>, vector<1x1x16xf32>,
      %swap3A_219 = vector.shape_cast %swap3A_218 : vector<1x1x16xf32> to vector<16xf32>
      %swap3A_220 = vector.shape_cast %broadcast_in_dim3A_213 : vector<16xf32> to vector<1x1x16xf32>
      tpu.vector_store %arg10[%swap3A_215, %swap3A_216, %swap3A_217], %swap3A_220 {strides = array<i32>} : memref<2x128x128xf32, #tpu.memory_space<vmem>>, vector<1x1x16xf32>,
      %broadcast_in_dim3A_221 = arith.constant 0.000000e+00 : f32
      %broadcast_in_dim3A_222 = vector.broadcast %broadcast_in_dim3A_221 : f32 to vector<16xf32>
      %swap3A_223 = arith.constant 0 : i32
      %swap3A_224 = arith.index_cast %swap3A_223 : i32 to index
      %swap3A_225 = arith.index_cast %scan3A_177 : i32 to index
      %swap3A_226 = arith.constant 80 : index
      %swap3A_227 = tpu.vector_load %arg10[%swap3A_224, %swap3A_225, %swap3A_226] {strides = array<i32>} : memref<2x128x128xf32, #tpu.memory_space<vmem>>, vector<1x1x16xf32>,
      %swap3A_228 = vector.shape_cast %swap3A_227 : vector<1x1x16xf32> to vector<16xf32>
      %swap3A_229 = vector.shape_cast %broadcast_in_dim3A_222 : vector<16xf32> to vector<1x1x16xf32>
      tpu.vector_store %arg10[%swap3A_224, %swap3A_225, %swap3A_226], %swap3A_229 {strides = array<i32>} : memref<2x128x128xf32, #tpu.memory_space<vmem>>, vector<1x1x16xf32>,
      %broadcast_in_dim3A_230 = arith.constant 0.000000e+00 : f32
      %broadcast_in_dim3A_231 = vector.broadcast %broadcast_in_dim3A_230 : f32 to vector<16xf32>
      %swap3A_232 = arith.constant 0 : i32
      %swap3A_233 = arith.index_cast %swap3A_232 : i32 to index
      %swap3A_234 = arith.index_cast %scan3A_177 : i32 to index
      %swap3A_235 = arith.constant 96 : index
      %swap3A_236 = tpu.vector_load %arg10[%swap3A_233, %swap3A_234, %swap3A_235] {strides = array<i32>} : memref<2x128x128xf32, #tpu.memory_space<vmem>>, vector<1x1x16xf32>,
      %swap3A_237 = vector.shape_cast %swap3A_236 : vector<1x1x16xf32> to vector<16xf32>
      %swap3A_238 = vector.shape_cast %broadcast_in_dim3A_231 : vector<16xf32> to vector<1x1x16xf32>
      tpu.vector_store %arg10[%swap3A_233, %swap3A_234, %swap3A_235], %swap3A_238 {strides = array<i32>} : memref<2x128x128xf32, #tpu.memory_space<vmem>>, vector<1x1x16xf32>,
      %broadcast_in_dim3A_239 = arith.constant 0.000000e+00 : f32
      %broadcast_in_dim3A_240 = vector.broadcast %broadcast_in_dim3A_239 : f32 to vector<16xf32>
      %swap3A_241 = arith.constant 0 : i32
      %swap3A_242 = arith.index_cast %swap3A_241 : i32 to index
      %swap3A_243 = arith.index_cast %scan3A_177 : i32 to index
      %swap3A_244 = arith.constant 112 : index
      %swap3A_245 = tpu.vector_load %arg10[%swap3A_242, %swap3A_243, %swap3A_244] {strides = array<i32>} : memref<2x128x128xf32, #tpu.memory_space<vmem>>, vector<1x1x16xf32>,
      %swap3A_246 = vector.shape_cast %swap3A_245 : vector<1x1x16xf32> to vector<16xf32>
      %swap3A_247 = vector.shape_cast %broadcast_in_dim3A_240 : vector<16xf32> to vector<1x1x16xf32>
      tpu.vector_store %arg10[%swap3A_242, %swap3A_243, %swap3A_244], %swap3A_247 {strides = array<i32>} : memref<2x128x128xf32, #tpu.memory_space<vmem>>, vector<1x1x16xf32>,
    }
    %scan3A_5 = arith.constant 128 : i32
    %mul3A_6 = arith.constant 640 : i32
    %mul3A_7 = arith.muli %arg1, %mul3A_6 : i32
    %add3A_8 = arith.constant 0 : i32
    %add3A_9 = arith.addi %mul3A_7, %add3A_8 : i32
    %run_scoped3A = arith.constant 0 : i32
    "tpu.region"() ({
      %run_scoped3A_177 = tpu.sem_alloc : memref<!tpu.dma_semaphore, #tpu.memory_space<semaphore_mem>>
      %dma_start3A_178 = arith.constant 0 : i32
      %dma_start3A_179 = arith.constant 0 : i32
      %dma_start3A_180 = tpu.memref_slice %arg10[%run_scoped3A, %dma_start3A_178, %dma_start3A_179] : memref<2x128x128xf32, #tpu.memory_space<vmem>> -> memref<1x128x128xf32, #tpu.memory_space<vmem>>
      %dma_start3A_181 = tpu.memref_squeeze %dma_start3A_180 : memref<1x128x128xf32, #tpu.memory_space<vmem>> -> memref<128x128xf32, #tpu.memory_space<vmem>>
      %dma_start3A_182 = arith.constant 0 : i32
      %dma_start3A_183 = tpu.memref_slice %arg11[%add3A_9, %dma_start3A_182] : memref<10240x128xf32, #tpu.memory_space<vmem_shared>> -> memref<128x128xf32, #tpu.memory_space<vmem_shared>>
      %dma_start3A_184 = arith.constant 0 : i32
      %dma_start3A_185 = tpu.memref_slice %arg11[%add3A_9, %dma_start3A_184] : memref<10240x128xf32, #tpu.memory_space<vmem_shared>> -> memref<128x128xf32, #tpu.memory_space<vmem_shared>>
      %dma_start3A_186 = arith.constant 0 : i32
      %dma_start3A_187 = arith.constant 0 : i32
      %dma_start3A_188 = tpu.memref_slice %arg10[%run_scoped3A, %dma_start3A_186, %dma_start3A_187] : memref<2x128x128xf32, #tpu.memory_space<vmem>> -> memref<1x128x128xf32, #tpu.memory_space<vmem>>
      %dma_start3A_189 = tpu.memref_squeeze %dma_start3A_188 : memref<1x128x128xf32, #tpu.memory_space<vmem>> -> memref<128x128xf32, #tpu.memory_space<vmem>>
      tpu.enqueue_dma source(%dma_start3A_189 : memref<128x128xf32, #tpu.memory_space<vmem>>) target(%dma_start3A_185 : memref<128x128xf32, #tpu.memory_space<vmem_shared>>) target_semaphore(%run_scoped3A_177 : memref<!tpu.dma_semaphore, #tpu.memory_space<semaphore_mem>>)
      %dma_wait3A_190 = arith.constant 0 : i32
      %dma_wait3A_191 = arith.constant 0 : i32
      %dma_wait3A_192 = tpu.memref_slice %arg10[%run_scoped3A, %dma_wait3A_190, %dma_wait3A_191] : memref<2x128x128xf32, #tpu.memory_space<vmem>> -> memref<1x128x128xf32, #tpu.memory_space<vmem>>
      %dma_wait3A_193 = tpu.memref_squeeze %dma_wait3A_192 : memref<1x128x128xf32, #tpu.memory_space<vmem>> -> memref<128x128xf32, #tpu.memory_space<vmem>>
      %dma_wait3A_194 = arith.constant 0 : i32
      %dma_wait3A_195 = tpu.memref_slice %arg11[%add3A_9, %dma_wait3A_194] : memref<10240x128xf32, #tpu.memory_space<vmem_shared>> -> memref<128x128xf32, #tpu.memory_space<vmem_shared>>
      %dma_wait3A_196 = arith.constant 0 : i32
      %dma_wait3A_197 = tpu.memref_slice %arg11[%add3A_9, %dma_wait3A_196] : memref<10240x128xf32, #tpu.memory_space<vmem_shared>> -> memref<128x128xf32, #tpu.memory_space<vmem_shared>>
      %dma_wait3A_198 = arith.constant 0 : i32
      %dma_wait3A_199 = arith.constant 0 : i32
      %dma_wait3A_200 = tpu.memref_slice %arg10[%run_scoped3A, %dma_wait3A_198, %dma_wait3A_199] : memref<2x128x128xf32, #tpu.memory_space<vmem>> -> memref<1x128x128xf32, #tpu.memory_space<vmem>>
      %dma_wait3A_201 = tpu.memref_squeeze %dma_wait3A_200 : memref<1x128x128xf32, #tpu.memory_space<vmem>> -> memref<128x128xf32, #tpu.memory_space<vmem>>
      tpu.wait_dma2 semaphore(%run_scoped3A_177 : memref<!tpu.dma_semaphore, #tpu.memory_space<semaphore_mem>>) src(%dma_wait3A_201 : memref<128x128xf32, #tpu.memory_space<vmem>>) dst(%dma_wait3A_197 : memref<128x128xf32, #tpu.memory_space<vmem_shared>>)
      tpu.yield
    }) : () -> ()
    %add3A_10 = arith.constant 128 : i32
    %add3A_11 = arith.addi %mul3A_7, %add3A_10 : i32
    %run_scoped3A_12 = arith.constant 0 : i32
    "tpu.region"() ({
      %run_scoped3A_177 = tpu.sem_alloc : memref<!tpu.dma_semaphore, #tpu.memory_space<semaphore_mem>>
      %dma_start3A_178 = arith.constant 0 : i32
      %dma_start3A_179 = arith.constant 0 : i32
      %dma_start3A_180 = tpu.memref_slice %arg10[%run_scoped3A_12, %dma_start3A_178, %dma_start3A_179] : memref<2x128x128xf32, #tpu.memory_space<vmem>> -> memref<1x128x128xf32, #tpu.memory_space<vmem>>
      %dma_start3A_181 = tpu.memref_squeeze %dma_start3A_180 : memref<1x128x128xf32, #tpu.memory_space<vmem>> -> memref<128x128xf32, #tpu.memory_space<vmem>>
      %dma_start3A_182 = arith.constant 0 : i32
      %dma_start3A_183 = tpu.memref_slice %arg11[%add3A_11, %dma_start3A_182] : memref<10240x128xf32, #tpu.memory_space<vmem_shared>> -> memref<128x128xf32, #tpu.memory_space<vmem_shared>>
      %dma_start3A_184 = arith.constant 0 : i32
      %dma_start3A_185 = tpu.memref_slice %arg11[%add3A_11, %dma_start3A_184] : memref<10240x128xf32, #tpu.memory_space<vmem_shared>> -> memref<128x128xf32, #tpu.memory_space<vmem_shared>>
      %dma_start3A_186 = arith.constant 0 : i32
      %dma_start3A_187 = arith.constant 0 : i32
      %dma_start3A_188 = tpu.memref_slice %arg10[%run_scoped3A_12, %dma_start3A_186, %dma_start3A_187] : memref<2x128x128xf32, #tpu.memory_space<vmem>> -> memref<1x128x128xf32, #tpu.memory_space<vmem>>
      %dma_start3A_189 = tpu.memref_squeeze %dma_start3A_188 : memref<1x128x128xf32, #tpu.memory_space<vmem>> -> memref<128x128xf32, #tpu.memory_space<vmem>>
      tpu.enqueue_dma source(%dma_start3A_189 : memref<128x128xf32, #tpu.memory_space<vmem>>) target(%dma_start3A_185 : memref<128x128xf32, #tpu.memory_space<vmem_shared>>) target_semaphore(%run_scoped3A_177 : memref<!tpu.dma_semaphore, #tpu.memory_space<semaphore_mem>>)
      %dma_wait3A_190 = arith.constant 0 : i32
      %dma_wait3A_191 = arith.constant 0 : i32
      %dma_wait3A_192 = tpu.memref_slice %arg10[%run_scoped3A_12, %dma_wait3A_190, %dma_wait3A_191] : memref<2x128x128xf32, #tpu.memory_space<vmem>> -> memref<1x128x128xf32, #tpu.memory_space<vmem>>
      %dma_wait3A_193 = tpu.memref_squeeze %dma_wait3A_192 : memref<1x128x128xf32, #tpu.memory_space<vmem>> -> memref<128x128xf32, #tpu.memory_space<vmem>>
      %dma_wait3A_194 = arith.constant 0 : i32
      %dma_wait3A_195 = tpu.memref_slice %arg11[%add3A_11, %dma_wait3A_194] : memref<10240x128xf32, #tpu.memory_space<vmem_shared>> -> memref<128x128xf32, #tpu.memory_space<vmem_shared>>
      %dma_wait3A_196 = arith.constant 0 : i32
      %dma_wait3A_197 = tpu.memref_slice %arg11[%add3A_11, %dma_wait3A_196] : memref<10240x128xf32, #tpu.memory_space<vmem_shared>> -> memref<128x128xf32, #tpu.memory_space<vmem_shared>>
      %dma_wait3A_198 = arith.constant 0 : i32
      %dma_wait3A_199 = arith.constant 0 : i32
      %dma_wait3A_200 = tpu.memref_slice %arg10[%run_scoped3A_12, %dma_wait3A_198, %dma_wait3A_199] : memref<2x128x128xf32, #tpu.memory_space<vmem>> -> memref<1x128x128xf32, #tpu.memory_space<vmem>>
      %dma_wait3A_201 = tpu.memref_squeeze %dma_wait3A_200 : memref<1x128x128xf32, #tpu.memory_space<vmem>> -> memref<128x128xf32, #tpu.memory_space<vmem>>
      tpu.wait_dma2 semaphore(%run_scoped3A_177 : memref<!tpu.dma_semaphore, #tpu.memory_space<semaphore_mem>>) src(%dma_wait3A_201 : memref<128x128xf32, #tpu.memory_space<vmem>>) dst(%dma_wait3A_197 : memref<128x128xf32, #tpu.memory_space<vmem_shared>>)
      tpu.yield
    }) : () -> ()
    %add3A_13 = arith.constant 256 : i32
    %add3A_14 = arith.addi %mul3A_7, %add3A_13 : i32
    %run_scoped3A_15 = arith.constant 0 : i32
    "tpu.region"() ({
      %run_scoped3A_177 = tpu.sem_alloc : memref<!tpu.dma_semaphore, #tpu.memory_space<semaphore_mem>>
      %dma_start3A_178 = arith.constant 0 : i32
      %dma_start3A_179 = arith.constant 0 : i32
      %dma_start3A_180 = tpu.memref_slice %arg10[%run_scoped3A_15, %dma_start3A_178, %dma_start3A_179] : memref<2x128x128xf32, #tpu.memory_space<vmem>> -> memref<1x128x128xf32, #tpu.memory_space<vmem>>
      %dma_start3A_181 = tpu.memref_squeeze %dma_start3A_180 : memref<1x128x128xf32, #tpu.memory_space<vmem>> -> memref<128x128xf32, #tpu.memory_space<vmem>>
      %dma_start3A_182 = arith.constant 0 : i32
      %dma_start3A_183 = tpu.memref_slice %arg11[%add3A_14, %dma_start3A_182] : memref<10240x128xf32, #tpu.memory_space<vmem_shared>> -> memref<128x128xf32, #tpu.memory_space<vmem_shared>>
      %dma_start3A_184 = arith.constant 0 : i32
      %dma_start3A_185 = tpu.memref_slice %arg11[%add3A_14, %dma_start3A_184] : memref<10240x128xf32, #tpu.memory_space<vmem_shared>> -> memref<128x128xf32, #tpu.memory_space<vmem_shared>>
      %dma_start3A_186 = arith.constant 0 : i32
      %dma_start3A_187 = arith.constant 0 : i32
      %dma_start3A_188 = tpu.memref_slice %arg10[%run_scoped3A_15, %dma_start3A_186, %dma_start3A_187] : memref<2x128x128xf32, #tpu.memory_space<vmem>> -> memref<1x128x128xf32, #tpu.memory_space<vmem>>
      %dma_start3A_189 = tpu.memref_squeeze %dma_start3A_188 : memref<1x128x128xf32, #tpu.memory_space<vmem>> -> memref<128x128xf32, #tpu.memory_space<vmem>>
      tpu.enqueue_dma source(%dma_start3A_189 : memref<128x128xf32, #tpu.memory_space<vmem>>) target(%dma_start3A_185 : memref<128x128xf32, #tpu.memory_space<vmem_shared>>) target_semaphore(%run_scoped3A_177 : memref<!tpu.dma_semaphore, #tpu.memory_space<semaphore_mem>>)
      %dma_wait3A_190 = arith.constant 0 : i32
      %dma_wait3A_191 = arith.constant 0 : i32
      %dma_wait3A_192 = tpu.memref_slice %arg10[%run_scoped3A_15, %dma_wait3A_190, %dma_wait3A_191] : memref<2x128x128xf32, #tpu.memory_space<vmem>> -> memref<1x128x128xf32, #tpu.memory_space<vmem>>
      %dma_wait3A_193 = tpu.memref_squeeze %dma_wait3A_192 : memref<1x128x128xf32, #tpu.memory_space<vmem>> -> memref<128x128xf32, #tpu.memory_space<vmem>>
      %dma_wait3A_194 = arith.constant 0 : i32
      %dma_wait3A_195 = tpu.memref_slice %arg11[%add3A_14, %dma_wait3A_194] : memref<10240x128xf32, #tpu.memory_space<vmem_shared>> -> memref<128x128xf32, #tpu.memory_space<vmem_shared>>
      %dma_wait3A_196 = arith.constant 0 : i32
      %dma_wait3A_197 = tpu.memref_slice %arg11[%add3A_14, %dma_wait3A_196] : memref<10240x128xf32, #tpu.memory_space<vmem_shared>> -> memref<128x128xf32, #tpu.memory_space<vmem_shared>>
      %dma_wait3A_198 = arith.constant 0 : i32
      %dma_wait3A_199 = arith.constant 0 : i32
      %dma_wait3A_200 = tpu.memref_slice %arg10[%run_scoped3A_15, %dma_wait3A_198, %dma_wait3A_199] : memref<2x128x128xf32, #tpu.memory_space<vmem>> -> memref<1x128x128xf32, #tpu.memory_space<vmem>>
      %dma_wait3A_201 = tpu.memref_squeeze %dma_wait3A_200 : memref<1x128x128xf32, #tpu.memory_space<vmem>> -> memref<128x128xf32, #tpu.memory_space<vmem>>
      tpu.wait_dma2 semaphore(%run_scoped3A_177 : memref<!tpu.dma_semaphore, #tpu.memory_space<semaphore_mem>>) src(%dma_wait3A_201 : memref<128x128xf32, #tpu.memory_space<vmem>>) dst(%dma_wait3A_197 : memref<128x128xf32, #tpu.memory_space<vmem_shared>>)
      tpu.yield
    }) : () -> ()
    %add3A_16 = arith.constant 384 : i32
    %add3A_17 = arith.addi %mul3A_7, %add3A_16 : i32
    %run_scoped3A_18 = arith.constant 0 : i32
    "tpu.region"() ({
      %run_scoped3A_177 = tpu.sem_alloc : memref<!tpu.dma_semaphore, #tpu.memory_space<semaphore_mem>>
      %dma_start3A_178 = arith.constant 0 : i32
      %dma_start3A_179 = arith.constant 0 : i32
      %dma_start3A_180 = tpu.memref_slice %arg10[%run_scoped3A_18, %dma_start3A_178, %dma_start3A_179] : memref<2x128x128xf32, #tpu.memory_space<vmem>> -> memref<1x128x128xf32, #tpu.memory_space<vmem>>
      %dma_start3A_181 = tpu.memref_squeeze %dma_start3A_180 : memref<1x128x128xf32, #tpu.memory_space<vmem>> -> memref<128x128xf32, #tpu.memory_space<vmem>>
      %dma_start3A_182 = arith.constant 0 : i32
      %dma_start3A_183 = tpu.memref_slice %arg11[%add3A_17, %dma_start3A_182] : memref<10240x128xf32, #tpu.memory_space<vmem_shared>> -> memref<128x128xf32, #tpu.memory_space<vmem_shared>>
      %dma_start3A_184 = arith.constant 0 : i32
      %dma_start3A_185 = tpu.memref_slice %arg11[%add3A_17, %dma_start3A_184] : memref<10240x128xf32, #tpu.memory_space<vmem_shared>> -> memref<128x128xf32, #tpu.memory_space<vmem_shared>>
      %dma_start3A_186 = arith.constant 0 : i32
      %dma_start3A_187 = arith.constant 0 : i32
      %dma_start3A_188 = tpu.memref_slice %arg10[%run_scoped3A_18, %dma_start3A_186, %dma_start3A_187] : memref<2x128x128xf32, #tpu.memory_space<vmem>> -> memref<1x128x128xf32, #tpu.memory_space<vmem>>
      %dma_start3A_189 = tpu.memref_squeeze %dma_start3A_188 : memref<1x128x128xf32, #tpu.memory_space<vmem>> -> memref<128x128xf32, #tpu.memory_space<vmem>>
      tpu.enqueue_dma source(%dma_start3A_189 : memref<128x128xf32, #tpu.memory_space<vmem>>) target(%dma_start3A_185 : memref<128x128xf32, #tpu.memory_space<vmem_shared>>) target_semaphore(%run_scoped3A_177 : memref<!tpu.dma_semaphore, #tpu.memory_space<semaphore_mem>>)
      %dma_wait3A_190 = arith.constant 0 : i32
      %dma_wait3A_191 = arith.constant 0 : i32
      %dma_wait3A_192 = tpu.memref_slice %arg10[%run_scoped3A_18, %dma_wait3A_190, %dma_wait3A_191] : memref<2x128x128xf32, #tpu.memory_space<vmem>> -> memref<1x128x128xf32, #tpu.memory_space<vmem>>
      %dma_wait3A_193 = tpu.memref_squeeze %dma_wait3A_192 : memref<1x128x128xf32, #tpu.memory_space<vmem>> -> memref<128x128xf32, #tpu.memory_space<vmem>>
      %dma_wait3A_194 = arith.constant 0 : i32
      %dma_wait3A_195 = tpu.memref_slice %arg11[%add3A_17, %dma_wait3A_194] : memref<10240x128xf32, #tpu.memory_space<vmem_shared>> -> memref<128x128xf32, #tpu.memory_space<vmem_shared>>
      %dma_wait3A_196 = arith.constant 0 : i32
      %dma_wait3A_197 = tpu.memref_slice %arg11[%add3A_17, %dma_wait3A_196] : memref<10240x128xf32, #tpu.memory_space<vmem_shared>> -> memref<128x128xf32, #tpu.memory_space<vmem_shared>>
      %dma_wait3A_198 = arith.constant 0 : i32
      %dma_wait3A_199 = arith.constant 0 : i32
      %dma_wait3A_200 = tpu.memref_slice %arg10[%run_scoped3A_18, %dma_wait3A_198, %dma_wait3A_199] : memref<2x128x128xf32, #tpu.memory_space<vmem>> -> memref<1x128x128xf32, #tpu.memory_space<vmem>>
      %dma_wait3A_201 = tpu.memref_squeeze %dma_wait3A_200 : memref<1x128x128xf32, #tpu.memory_space<vmem>> -> memref<128x128xf32, #tpu.memory_space<vmem>>
      tpu.wait_dma2 semaphore(%run_scoped3A_177 : memref<!tpu.dma_semaphore, #tpu.memory_space<semaphore_mem>>) src(%dma_wait3A_201 : memref<128x128xf32, #tpu.memory_space<vmem>>) dst(%dma_wait3A_197 : memref<128x128xf32, #tpu.memory_space<vmem_shared>>)
      tpu.yield
    }) : () -> ()
    %add3A_19 = arith.constant 512 : i32
    %add3A_20 = arith.addi %mul3A_7, %add3A_19 : i32
    %run_scoped3A_21 = arith.constant 0 : i32
    "tpu.region"() ({
      %run_scoped3A_177 = tpu.sem_alloc : memref<!tpu.dma_semaphore, #tpu.memory_space<semaphore_mem>>
      %dma_start3A_178 = arith.constant 0 : i32
      %dma_start3A_179 = arith.constant 0 : i32
      %dma_start3A_180 = tpu.memref_slice %arg10[%run_scoped3A_21, %dma_start3A_178, %dma_start3A_179] : memref<2x128x128xf32, #tpu.memory_space<vmem>> -> memref<1x128x128xf32, #tpu.memory_space<vmem>>
      %dma_start3A_181 = tpu.memref_squeeze %dma_start3A_180 : memref<1x128x128xf32, #tpu.memory_space<vmem>> -> memref<128x128xf32, #tpu.memory_space<vmem>>
      %dma_start3A_182 = arith.constant 0 : i32
      %dma_start3A_183 = tpu.memref_slice %arg11[%add3A_20, %dma_start3A_182] : memref<10240x128xf32, #tpu.memory_space<vmem_shared>> -> memref<128x128xf32, #tpu.memory_space<vmem_shared>>
      %dma_start3A_184 = arith.constant 0 : i32
      %dma_start3A_185 = tpu.memref_slice %arg11[%add3A_20, %dma_start3A_184] : memref<10240x128xf32, #tpu.memory_space<vmem_shared>> -> memref<128x128xf32, #tpu.memory_space<vmem_shared>>
      %dma_start3A_186 = arith.constant 0 : i32
      %dma_start3A_187 = arith.constant 0 : i32
      %dma_start3A_188 = tpu.memref_slice %arg10[%run_scoped3A_21, %dma_start3A_186, %dma_start3A_187] : memref<2x128x128xf32, #tpu.memory_space<vmem>> -> memref<1x128x128xf32, #tpu.memory_space<vmem>>
      %dma_start3A_189 = tpu.memref_squeeze %dma_start3A_188 : memref<1x128x128xf32, #tpu.memory_space<vmem>> -> memref<128x128xf32, #tpu.memory_space<vmem>>
      tpu.enqueue_dma source(%dma_start3A_189 : memref<128x128xf32, #tpu.memory_space<vmem>>) target(%dma_start3A_185 : memref<128x128xf32, #tpu.memory_space<vmem_shared>>) target_semaphore(%run_scoped3A_177 : memref<!tpu.dma_semaphore, #tpu.memory_space<semaphore_mem>>)
      %dma_wait3A_190 = arith.constant 0 : i32
      %dma_wait3A_191 = arith.constant 0 : i32
      %dma_wait3A_192 = tpu.memref_slice %arg10[%run_scoped3A_21, %dma_wait3A_190, %dma_wait3A_191] : memref<2x128x128xf32, #tpu.memory_space<vmem>> -> memref<1x128x128xf32, #tpu.memory_space<vmem>>
      %dma_wait3A_193 = tpu.memref_squeeze %dma_wait3A_192 : memref<1x128x128xf32, #tpu.memory_space<vmem>> -> memref<128x128xf32, #tpu.memory_space<vmem>>
      %dma_wait3A_194 = arith.constant 0 : i32
      %dma_wait3A_195 = tpu.memref_slice %arg11[%add3A_20, %dma_wait3A_194] : memref<10240x128xf32, #tpu.memory_space<vmem_shared>> -> memref<128x128xf32, #tpu.memory_space<vmem_shared>>
      %dma_wait3A_196 = arith.constant 0 : i32
      %dma_wait3A_197 = tpu.memref_slice %arg11[%add3A_20, %dma_wait3A_196] : memref<10240x128xf32, #tpu.memory_space<vmem_shared>> -> memref<128x128xf32, #tpu.memory_space<vmem_shared>>
      %dma_wait3A_198 = arith.constant 0 : i32
      %dma_wait3A_199 = arith.constant 0 : i32
      %dma_wait3A_200 = tpu.memref_slice %arg10[%run_scoped3A_21, %dma_wait3A_198, %dma_wait3A_199] : memref<2x128x128xf32, #tpu.memory_space<vmem>> -> memref<1x128x128xf32, #tpu.memory_space<vmem>>
      %dma_wait3A_201 = tpu.memref_squeeze %dma_wait3A_200 : memref<1x128x128xf32, #tpu.memory_space<vmem>> -> memref<128x128xf32, #tpu.memory_space<vmem>>
      tpu.wait_dma2 semaphore(%run_scoped3A_177 : memref<!tpu.dma_semaphore, #tpu.memory_space<semaphore_mem>>) src(%dma_wait3A_201 : memref<128x128xf32, #tpu.memory_space<vmem>>) dst(%dma_wait3A_197 : memref<128x128xf32, #tpu.memory_space<vmem_shared>>)
      tpu.yield
    }) : () -> ()
    %barrier3A = arith.constant 0 : index
    tpu.barrier barrier_id(%barrier3A)
    %mul3A_22 = arith.constant 80 : i32
    %mul3A_23 = arith.muli %add3A, %mul3A_22 : i32
    %rem3A = arith.constant 0 : i32
    %rem3A_24 = arith.constant 2 : i32
    %rem3A_25 = arith.remsi %rem3A, %rem3A_24 : i32
    %add3A_26 = arith.constant 0 : i32
    %add3A_27 = arith.addi %mul3A_23, %add3A_26 : i32
    %dma_start3A = arith.constant 0 : i32
    %dma_start3A_28 = arith.constant 0 : i32
    %dma_start3A_29 = tpu.memref_slice %arg7[%rem3A_25, %dma_start3A, %dma_start3A_28] : memref<2x16x128xi32, #tpu.memory_space<vmem>> -> memref<1x16x128xi32, #tpu.memory_space<vmem>>
    %dma_start3A_30 = tpu.memref_squeeze %dma_start3A_29 : memref<1x16x128xi32, #tpu.memory_space<vmem>> -> memref<16x128xi32, #tpu.memory_space<vmem>>
    %dma_start3A_31 = arith.constant 0 : i32
    %dma_start3A_32 = tpu.memref_slice %arg3[%add3A_27, %dma_start3A_31] : memref<2560x128xi32, #tpu.memory_space<hbm>> -> memref<16x128xi32, #tpu.memory_space<hbm>>
    %dma_start3A_33 = arith.constant 0 : i32
    %dma_start3A_34 = arith.constant 0 : i32
    %dma_start3A_35 = tpu.memref_slice %arg7[%rem3A_25, %dma_start3A_33, %dma_start3A_34] : memref<2x16x128xi32, #tpu.memory_space<vmem>> -> memref<1x16x128xi32, #tpu.memory_space<vmem>>
    %dma_start3A_36 = tpu.memref_squeeze %dma_start3A_35 : memref<1x16x128xi32, #tpu.memory_space<vmem>> -> memref<16x128xi32, #tpu.memory_space<vmem>>
    %dma_start3A_37 = arith.constant 0 : i32
    %dma_start3A_38 = tpu.memref_slice %arg3[%add3A_27, %dma_start3A_37] : memref<2560x128xi32, #tpu.memory_space<hbm>> -> memref<16x128xi32, #tpu.memory_space<hbm>>
    tpu.enqueue_dma source(%dma_start3A_38 : memref<16x128xi32, #tpu.memory_space<hbm>>) target(%dma_start3A_36 : memref<16x128xi32, #tpu.memory_space<vmem>>) target_semaphore(%arg15 : memref<!tpu.dma_semaphore, #tpu.memory_space<semaphore_mem>>)
    %dma_start3A_39 = arith.constant 0 : i32
    %dma_start3A_40 = arith.constant 0 : i32
    %dma_start3A_41 = tpu.memref_slice %arg8[%rem3A_25, %dma_start3A_39, %dma_start3A_40] : memref<2x16x128xi32, #tpu.memory_space<vmem>> -> memref<1x16x128xi32, #tpu.memory_space<vmem>>
    %dma_start3A_42 = tpu.memref_squeeze %dma_start3A_41 : memref<1x16x128xi32, #tpu.memory_space<vmem>> -> memref<16x128xi32, #tpu.memory_space<vmem>>
    %dma_start3A_43 = arith.constant 0 : i32
    %dma_start3A_44 = tpu.memref_slice %arg4[%add3A_27, %dma_start3A_43] : memref<2560x128xi32, #tpu.memory_space<hbm>> -> memref<16x128xi32, #tpu.memory_space<hbm>>
    %dma_start3A_45 = arith.constant 0 : i32
    %dma_start3A_46 = arith.constant 0 : i32
    %dma_start3A_47 = tpu.memref_slice %arg8[%rem3A_25, %dma_start3A_45, %dma_start3A_46] : memref<2x16x128xi32, #tpu.memory_space<vmem>> -> memref<1x16x128xi32, #tpu.memory_space<vmem>>
    %dma_start3A_48 = tpu.memref_squeeze %dma_start3A_47 : memref<1x16x128xi32, #tpu.memory_space<vmem>> -> memref<16x128xi32, #tpu.memory_space<vmem>>
    %dma_start3A_49 = arith.constant 0 : i32
    %dma_start3A_50 = tpu.memref_slice %arg4[%add3A_27, %dma_start3A_49] : memref<2560x128xi32, #tpu.memory_space<hbm>> -> memref<16x128xi32, #tpu.memory_space<hbm>>
    tpu.enqueue_dma source(%dma_start3A_50 : memref<16x128xi32, #tpu.memory_space<hbm>>) target(%dma_start3A_48 : memref<16x128xi32, #tpu.memory_space<vmem>>) target_semaphore(%arg15 : memref<!tpu.dma_semaphore, #tpu.memory_space<semaphore_mem>>)
    %dma_start3A_51 = arith.constant 0 : i32
    %dma_start3A_52 = arith.constant 0 : i32
    %dma_start3A_53 = tpu.memref_slice %arg9[%rem3A_25, %dma_start3A_51, %dma_start3A_52] : memref<2x16x128xf32, #tpu.memory_space<vmem>> -> memref<1x16x128xf32, #tpu.memory_space<vmem>>
    %dma_start3A_54 = tpu.memref_squeeze %dma_start3A_53 : memref<1x16x128xf32, #tpu.memory_space<vmem>> -> memref<16x128xf32, #tpu.memory_space<vmem>>
    %dma_start3A_55 = arith.constant 0 : i32
    %dma_start3A_56 = tpu.memref_slice %arg5[%add3A_27, %dma_start3A_55] : memref<2560x128xf32, #tpu.memory_space<hbm>> -> memref<16x128xf32, #tpu.memory_space<hbm>>
    %dma_start3A_57 = arith.constant 0 : i32
    %dma_start3A_58 = arith.constant 0 : i32
    %dma_start3A_59 = tpu.memref_slice %arg9[%rem3A_25, %dma_start3A_57, %dma_start3A_58] : memref<2x16x128xf32, #tpu.memory_space<vmem>> -> memref<1x16x128xf32, #tpu.memory_space<vmem>>
    %dma_start3A_60 = tpu.memref_squeeze %dma_start3A_59 : memref<1x16x128xf32, #tpu.memory_space<vmem>> -> memref<16x128xf32, #tpu.memory_space<vmem>>
    %dma_start3A_61 = arith.constant 0 : i32
    %dma_start3A_62 = tpu.memref_slice %arg5[%add3A_27, %dma_start3A_61] : memref<2560x128xf32, #tpu.memory_space<hbm>> -> memref<16x128xf32, #tpu.memory_space<hbm>>
    tpu.enqueue_dma source(%dma_start3A_62 : memref<16x128xf32, #tpu.memory_space<hbm>>) target(%dma_start3A_60 : memref<16x128xf32, #tpu.memory_space<vmem>>) target_semaphore(%arg15 : memref<!tpu.dma_semaphore, #tpu.memory_space<semaphore_mem>>)
    %dma_wait3A = arith.constant 0 : i32
    %dma_wait3A_63 = arith.constant 0 : i32
    %dma_wait3A_64 = arith.constant 0 : i32
    %dma_wait3A_65 = tpu.memref_slice %arg7[%dma_wait3A, %dma_wait3A_63, %dma_wait3A_64] : memref<2x16x128xi32, #tpu.memory_space<vmem>> -> memref<1x16x128xi32, #tpu.memory_space<vmem>>
    %dma_wait3A_66 = tpu.memref_squeeze %dma_wait3A_65 : memref<1x16x128xi32, #tpu.memory_space<vmem>> -> memref<16x128xi32, #tpu.memory_space<vmem>>
    %dma_wait3A_67 = arith.constant 0 : i32
    %dma_wait3A_68 = tpu.memref_slice %arg3[%mul3A_23, %dma_wait3A_67] : memref<2560x128xi32, #tpu.memory_space<hbm>> -> memref<16x128xi32, #tpu.memory_space<hbm>>
    %dma_wait3A_69 = arith.constant 0 : i32
    %dma_wait3A_70 = arith.constant 0 : i32
    %dma_wait3A_71 = tpu.memref_slice %arg7[%dma_wait3A, %dma_wait3A_69, %dma_wait3A_70] : memref<2x16x128xi32, #tpu.memory_space<vmem>> -> memref<1x16x128xi32, #tpu.memory_space<vmem>>
    %dma_wait3A_72 = tpu.memref_squeeze %dma_wait3A_71 : memref<1x16x128xi32, #tpu.memory_space<vmem>> -> memref<16x128xi32, #tpu.memory_space<vmem>>
    %dma_wait3A_73 = arith.constant 0 : i32
    %dma_wait3A_74 = tpu.memref_slice %arg3[%mul3A_23, %dma_wait3A_73] : memref<2560x128xi32, #tpu.memory_space<hbm>> -> memref<16x128xi32, #tpu.memory_space<hbm>>
    tpu.wait_dma2 semaphore(%arg15 : memref<!tpu.dma_semaphore, #tpu.memory_space<semaphore_mem>>) src(%dma_wait3A_74 : memref<16x128xi32, #tpu.memory_space<hbm>>) dst(%dma_wait3A_72 : memref<16x128xi32, #tpu.memory_space<vmem>>)
    %dma_wait3A_75 = arith.constant 0 : i32
    %dma_wait3A_76 = arith.constant 0 : i32
    %dma_wait3A_77 = arith.constant 0 : i32
    %dma_wait3A_78 = tpu.memref_slice %arg8[%dma_wait3A_75, %dma_wait3A_76, %dma_wait3A_77] : memref<2x16x128xi32, #tpu.memory_space<vmem>> -> memref<1x16x128xi32, #tpu.memory_space<vmem>>
    %dma_wait3A_79 = tpu.memref_squeeze %dma_wait3A_78 : memref<1x16x128xi32, #tpu.memory_space<vmem>> -> memref<16x128xi32, #tpu.memory_space<vmem>>
    %dma_wait3A_80 = arith.constant 0 : i32
    %dma_wait3A_81 = tpu.memref_slice %arg4[%mul3A_23, %dma_wait3A_80] : memref<2560x128xi32, #tpu.memory_space<hbm>> -> memref<16x128xi32, #tpu.memory_space<hbm>>
    %dma_wait3A_82 = arith.constant 0 : i32
    %dma_wait3A_83 = arith.constant 0 : i32
    %dma_wait3A_84 = tpu.memref_slice %arg8[%dma_wait3A_75, %dma_wait3A_82, %dma_wait3A_83] : memref<2x16x128xi32, #tpu.memory_space<vmem>> -> memref<1x16x128xi32, #tpu.memory_space<vmem>>
    %dma_wait3A_85 = tpu.memref_squeeze %dma_wait3A_84 : memref<1x16x128xi32, #tpu.memory_space<vmem>> -> memref<16x128xi32, #tpu.memory_space<vmem>>
    %dma_wait3A_86 = arith.constant 0 : i32
    %dma_wait3A_87 = tpu.memref_slice %arg4[%mul3A_23, %dma_wait3A_86] : memref<2560x128xi32, #tpu.memory_space<hbm>> -> memref<16x128xi32, #tpu.memory_space<hbm>>
    tpu.wait_dma2 semaphore(%arg15 : memref<!tpu.dma_semaphore, #tpu.memory_space<semaphore_mem>>) src(%dma_wait3A_87 : memref<16x128xi32, #tpu.memory_space<hbm>>) dst(%dma_wait3A_85 : memref<16x128xi32, #tpu.memory_space<vmem>>)
    %dma_wait3A_88 = arith.constant 0 : i32
    %dma_wait3A_89 = arith.constant 0 : i32
    %dma_wait3A_90 = arith.constant 0 : i32
    %dma_wait3A_91 = tpu.memref_slice %arg9[%dma_wait3A_88, %dma_wait3A_89, %dma_wait3A_90] : memref<2x16x128xf32, #tpu.memory_space<vmem>> -> memref<1x16x128xf32, #tpu.memory_space<vmem>>
    %dma_wait3A_92 = tpu.memref_squeeze %dma_wait3A_91 : memref<1x16x128xf32, #tpu.memory_space<vmem>> -> memref<16x128xf32, #tpu.memory_space<vmem>>
    %dma_wait3A_93 = arith.constant 0 : i32
    %dma_wait3A_94 = tpu.memref_slice %arg5[%mul3A_23, %dma_wait3A_93] : memref<2560x128xf32, #tpu.memory_space<hbm>> -> memref<16x128xf32, #tpu.memory_space<hbm>>
    %dma_wait3A_95 = arith.constant 0 : i32
    %dma_wait3A_96 = arith.constant 0 : i32
    %dma_wait3A_97 = tpu.memref_slice %arg9[%dma_wait3A_88, %dma_wait3A_95, %dma_wait3A_96] : memref<2x16x128xf32, #tpu.memory_space<vmem>> -> memref<1x16x128xf32, #tpu.memory_space<vmem>>
    %dma_wait3A_98 = tpu.memref_squeeze %dma_wait3A_97 : memref<1x16x128xf32, #tpu.memory_space<vmem>> -> memref<16x128xf32, #tpu.memory_space<vmem>>
    %dma_wait3A_99 = arith.constant 0 : i32
    %dma_wait3A_100 = tpu.memref_slice %arg5[%mul3A_23, %dma_wait3A_99] : memref<2560x128xf32, #tpu.memory_space<hbm>> -> memref<16x128xf32, #tpu.memory_space<hbm>>
    tpu.wait_dma2 semaphore(%arg15 : memref<!tpu.dma_semaphore, #tpu.memory_space<semaphore_mem>>) src(%dma_wait3A_100 : memref<16x128xf32, #tpu.memory_space<hbm>>) dst(%dma_wait3A_98 : memref<16x128xf32, #tpu.memory_space<vmem>>)
    %dma_start3A_101 = arith.constant 0 : i32
    %dma_start3A_102 = arith.constant 0 : i32
    %dma_start3A_103 = arith.constant 0 : i32
    %dma_start3A_104 = arith.constant 0 : i32
    %dma_start3A_105 = arith.constant 0 : i32
    %dma_start3A_106 = tpu.memref_slice %arg10[%dma_start3A_103, %dma_start3A_104, %dma_start3A_105] : memref<2x128x128xf32, #tpu.memory_space<vmem>> -> memref<1x128x128xf32, #tpu.memory_space<vmem>>
    %dma_start3A_107 = tpu.memref_squeeze %dma_start3A_106 : memref<1x128x128xf32, #tpu.memory_space<vmem>> -> memref<128x128xf32, #tpu.memory_space<vmem>>
    %dma_start3A_108 = arith.constant 0 : i32
    %dma_start3A_109 = tpu.memref_slice %arg7[%dma_start3A_101, %dma_start3A_102, %dma_start3A_108] : memref<2x16x128xi32, #tpu.memory_space<vmem>> -> memref<1x1x128xi32, #tpu.memory_space<vmem>>
    %dma_start3A_110 = tpu.memref_squeeze %dma_start3A_109 : memref<1x1x128xi32, #tpu.memory_space<vmem>> -> memref<128xi32, #tpu.memory_space<vmem>>
    %dma_start3A_111 = arith.constant 0 : i32
    %dma_start3A_112 = arith.constant 0 : i32
    %dma_start3A_113 = tpu.memref_slice %arg2[%dma_start3A_111, %dma_start3A_112] : memref<10000x128xf32, #tpu.memory_space<hbm>> -> memref<10000x128xf32, #tpu.memory_space<hbm>>
    tpu.enqueue_indirect_dma source(%dma_start3A_113 : memref<10000x128xf32, #tpu.memory_space<hbm>>) target(%dma_start3A_107 : memref<128x128xf32, #tpu.memory_space<vmem>>) offsets(%dma_start3A_110 : memref<128xi32, #tpu.memory_space<vmem>>) semaphore(%arg12 : memref<!tpu.dma_semaphore, #tpu.memory_space<semaphore_mem>>)
    %scan3A_114 = arith.constant 0 : i32
    %scan3A_115 = arith.constant 0 : i32
    %scan3A_116 = arith.constant 80 : i32
    %scan3A_117 = arith.addi %scan3A_115, %scan3A_116 : i32
    %scan3A_118 = arith.constant 1 : i32
    scf.for %scan3A_177 = %scan3A_115 to %scan3A_117 step %scan3A_118  : i32 {
      %rem3A_178 = arith.constant 2 : i32
      %rem3A_179 = arith.remsi %scan3A_177, %rem3A_178 : i32
      %sub3A = arith.constant 1 : i32
      %sub3A_180 = arith.subi %sub3A, %rem3A_179 : i32
      %div3A = arith.constant 16 : i32
      %div3A_181 = arith.divsi %scan3A_177, %div3A : i32
      %rem3A_182 = arith.constant 16 : i32
      %rem3A_183 = arith.remsi %scan3A_177, %rem3A_182 : i32
      %rem3A_184 = arith.constant 2 : i32
      %rem3A_185 = arith.remsi %div3A_181, %rem3A_184 : i32
      %eq3A = arith.constant 2 : i32
      %eq3A_186 = arith.cmpi eq, %rem3A_183, %eq3A : i32
      %lt3A = arith.constant 4 : i32
      %lt3A_187 = arith.cmpi slt, %div3A_181, %lt3A : i32
      %and3A = arith.andi %eq3A_186, %lt3A_187 : i1
      %convert_element_type3A = arith.extui %and3A : i1 to i32
      %cond3A = arith.constant 0 : i32
      %cond3A_188 = arith.cmpi ne, %convert_element_type3A, %cond3A : i32
      scf.if %cond3A_188 {
        %add3A_227 = arith.constant 1 : i32
        %add3A_228 = arith.addi %div3A_181, %add3A_227 : i32
        %rem3A_229 = arith.constant 2 : i32
        %rem3A_230 = arith.remsi %add3A_228, %rem3A_229 : i32
        %mul3A_231 = arith.constant 16 : i32
        %mul3A_232 = arith.muli %add3A_228, %mul3A_231 : i32
        %add3A_233 = arith.addi %mul3A_23, %mul3A_232 : i32
        %dma_start3A_234 = arith.constant 0 : i32
        %dma_start3A_235 = arith.constant 0 : i32
        %dma_start3A_236 = tpu.memref_slice %arg7[%rem3A_230, %dma_start3A_234, %dma_start3A_235] : memref<2x16x128xi32, #tpu.memory_space<vmem>> -> memref<1x16x128xi32, #tpu.memory_space<vmem>>
        %dma_start3A_237 = tpu.memref_squeeze %dma_start3A_236 : memref<1x16x128xi32, #tpu.memory_space<vmem>> -> memref<16x128xi32, #tpu.memory_space<vmem>>
        %dma_start3A_238 = arith.constant 0 : i32
        %dma_start3A_239 = tpu.memref_slice %arg3[%add3A_233, %dma_start3A_238] : memref<2560x128xi32, #tpu.memory_space<hbm>> -> memref<16x128xi32, #tpu.memory_space<hbm>>
        %dma_start3A_240 = arith.constant 0 : i32
        %dma_start3A_241 = arith.constant 0 : i32
        %dma_start3A_242 = tpu.memref_slice %arg7[%rem3A_230, %dma_start3A_240, %dma_start3A_241] : memref<2x16x128xi32, #tpu.memory_space<vmem>> -> memref<1x16x128xi32, #tpu.memory_space<vmem>>
        %dma_start3A_243 = tpu.memref_squeeze %dma_start3A_242 : memref<1x16x128xi32, #tpu.memory_space<vmem>> -> memref<16x128xi32, #tpu.memory_space<vmem>>
        %dma_start3A_244 = arith.constant 0 : i32
        %dma_start3A_245 = tpu.memref_slice %arg3[%add3A_233, %dma_start3A_244] : memref<2560x128xi32, #tpu.memory_space<hbm>> -> memref<16x128xi32, #tpu.memory_space<hbm>>
        tpu.enqueue_dma source(%dma_start3A_245 : memref<16x128xi32, #tpu.memory_space<hbm>>) target(%dma_start3A_243 : memref<16x128xi32, #tpu.memory_space<vmem>>) target_semaphore(%arg15 : memref<!tpu.dma_semaphore, #tpu.memory_space<semaphore_mem>>)
        %dma_start3A_246 = arith.constant 0 : i32
        %dma_start3A_247 = arith.constant 0 : i32
        %dma_start3A_248 = tpu.memref_slice %arg8[%rem3A_230, %dma_start3A_246, %dma_start3A_247] : memref<2x16x128xi32, #tpu.memory_space<vmem>> -> memref<1x16x128xi32, #tpu.memory_space<vmem>>
        %dma_start3A_249 = tpu.memref_squeeze %dma_start3A_248 : memref<1x16x128xi32, #tpu.memory_space<vmem>> -> memref<16x128xi32, #tpu.memory_space<vmem>>
        %dma_start3A_250 = arith.constant 0 : i32
        %dma_start3A_251 = tpu.memref_slice %arg4[%add3A_233, %dma_start3A_250] : memref<2560x128xi32, #tpu.memory_space<hbm>> -> memref<16x128xi32, #tpu.memory_space<hbm>>
        %dma_start3A_252 = arith.constant 0 : i32
        %dma_start3A_253 = arith.constant 0 : i32
        %dma_start3A_254 = tpu.memref_slice %arg8[%rem3A_230, %dma_start3A_252, %dma_start3A_253] : memref<2x16x128xi32, #tpu.memory_space<vmem>> -> memref<1x16x128xi32, #tpu.memory_space<vmem>>
        %dma_start3A_255 = tpu.memref_squeeze %dma_start3A_254 : memref<1x16x128xi32, #tpu.memory_space<vmem>> -> memref<16x128xi32, #tpu.memory_space<vmem>>
        %dma_start3A_256 = arith.constant 0 : i32
        %dma_start3A_257 = tpu.memref_slice %arg4[%add3A_233, %dma_start3A_256] : memref<2560x128xi32, #tpu.memory_space<hbm>> -> memref<16x128xi32, #tpu.memory_space<hbm>>
        tpu.enqueue_dma source(%dma_start3A_257 : memref<16x128xi32, #tpu.memory_space<hbm>>) target(%dma_start3A_255 : memref<16x128xi32, #tpu.memory_space<vmem>>) target_semaphore(%arg15 : memref<!tpu.dma_semaphore, #tpu.memory_space<semaphore_mem>>)
        %dma_start3A_258 = arith.constant 0 : i32
        %dma_start3A_259 = arith.constant 0 : i32
        %dma_start3A_260 = tpu.memref_slice %arg9[%rem3A_230, %dma_start3A_258, %dma_start3A_259] : memref<2x16x128xf32, #tpu.memory_space<vmem>> -> memref<1x16x128xf32, #tpu.memory_space<vmem>>
        %dma_start3A_261 = tpu.memref_squeeze %dma_start3A_260 : memref<1x16x128xf32, #tpu.memory_space<vmem>> -> memref<16x128xf32, #tpu.memory_space<vmem>>
        %dma_start3A_262 = arith.constant 0 : i32
        %dma_start3A_263 = tpu.memref_slice %arg5[%add3A_233, %dma_start3A_262] : memref<2560x128xf32, #tpu.memory_space<hbm>> -> memref<16x128xf32, #tpu.memory_space<hbm>>
        %dma_start3A_264 = arith.constant 0 : i32
        %dma_start3A_265 = arith.constant 0 : i32
        %dma_start3A_266 = tpu.memref_slice %arg9[%rem3A_230, %dma_start3A_264, %dma_start3A_265] : memref<2x16x128xf32, #tpu.memory_space<vmem>> -> memref<1x16x128xf32, #tpu.memory_space<vmem>>
        %dma_start3A_267 = tpu.memref_squeeze %dma_start3A_266 : memref<1x16x128xf32, #tpu.memory_space<vmem>> -> memref<16x128xf32, #tpu.memory_space<vmem>>
        %dma_start3A_268 = arith.constant 0 : i32
        %dma_start3A_269 = tpu.memref_slice %arg5[%add3A_233, %dma_start3A_268] : memref<2560x128xf32, #tpu.memory_space<hbm>> -> memref<16x128xf32, #tpu.memory_space<hbm>>
        tpu.enqueue_dma source(%dma_start3A_269 : memref<16x128xf32, #tpu.memory_space<hbm>>) target(%dma_start3A_267 : memref<16x128xf32, #tpu.memory_space<vmem>>) target_semaphore(%arg15 : memref<!tpu.dma_semaphore, #tpu.memory_space<semaphore_mem>>)
      } else {
      }
      %eq3A_189 = arith.constant 15 : i32
      %eq3A_190 = arith.cmpi eq, %rem3A_183, %eq3A_189 : i32
      %lt3A_191 = arith.constant 4 : i32
      %lt3A_192 = arith.cmpi slt, %div3A_181, %lt3A_191 : i32
      %and3A_193 = arith.andi %eq3A_190, %lt3A_192 : i1
      %convert_element_type3A_194 = arith.extui %and3A_193 : i1 to i32
      %cond3A_195 = arith.constant 0 : i32
      %cond3A_196 = arith.cmpi ne, %convert_element_type3A_194, %cond3A_195 : i32
      scf.if %cond3A_196 {
        %dma_wait3A_227 = arith.constant 0 : i32
        %dma_wait3A_228 = arith.constant 0 : i32
        %dma_wait3A_229 = arith.constant 0 : i32
        %dma_wait3A_230 = tpu.memref_slice %arg7[%dma_wait3A_227, %dma_wait3A_228, %dma_wait3A_229] : memref<2x16x128xi32, #tpu.memory_space<vmem>> -> memref<1x16x128xi32, #tpu.memory_space<vmem>>
        %dma_wait3A_231 = tpu.memref_squeeze %dma_wait3A_230 : memref<1x16x128xi32, #tpu.memory_space<vmem>> -> memref<16x128xi32, #tpu.memory_space<vmem>>
        %dma_wait3A_232 = arith.constant 0 : i32
        %dma_wait3A_233 = tpu.memref_slice %arg3[%mul3A_23, %dma_wait3A_232] : memref<2560x128xi32, #tpu.memory_space<hbm>> -> memref<16x128xi32, #tpu.memory_space<hbm>>
        %dma_wait3A_234 = arith.constant 0 : i32
        %dma_wait3A_235 = arith.constant 0 : i32
        %dma_wait3A_236 = tpu.memref_slice %arg7[%dma_wait3A_227, %dma_wait3A_234, %dma_wait3A_235] : memref<2x16x128xi32, #tpu.memory_space<vmem>> -> memref<1x16x128xi32, #tpu.memory_space<vmem>>
        %dma_wait3A_237 = tpu.memref_squeeze %dma_wait3A_236 : memref<1x16x128xi32, #tpu.memory_space<vmem>> -> memref<16x128xi32, #tpu.memory_space<vmem>>
        %dma_wait3A_238 = arith.constant 0 : i32
        %dma_wait3A_239 = tpu.memref_slice %arg3[%mul3A_23, %dma_wait3A_238] : memref<2560x128xi32, #tpu.memory_space<hbm>> -> memref<16x128xi32, #tpu.memory_space<hbm>>
        tpu.wait_dma2 semaphore(%arg15 : memref<!tpu.dma_semaphore, #tpu.memory_space<semaphore_mem>>) src(%dma_wait3A_239 : memref<16x128xi32, #tpu.memory_space<hbm>>) dst(%dma_wait3A_237 : memref<16x128xi32, #tpu.memory_space<vmem>>)
        %dma_wait3A_240 = arith.constant 0 : i32
        %dma_wait3A_241 = arith.constant 0 : i32
        %dma_wait3A_242 = arith.constant 0 : i32
        %dma_wait3A_243 = tpu.memref_slice %arg8[%dma_wait3A_240, %dma_wait3A_241, %dma_wait3A_242] : memref<2x16x128xi32, #tpu.memory_space<vmem>> -> memref<1x16x128xi32, #tpu.memory_space<vmem>>
        %dma_wait3A_244 = tpu.memref_squeeze %dma_wait3A_243 : memref<1x16x128xi32, #tpu.memory_space<vmem>> -> memref<16x128xi32, #tpu.memory_space<vmem>>
        %dma_wait3A_245 = arith.constant 0 : i32
        %dma_wait3A_246 = tpu.memref_slice %arg4[%mul3A_23, %dma_wait3A_245] : memref<2560x128xi32, #tpu.memory_space<hbm>> -> memref<16x128xi32, #tpu.memory_space<hbm>>
        %dma_wait3A_247 = arith.constant 0 : i32
        %dma_wait3A_248 = arith.constant 0 : i32
        %dma_wait3A_249 = tpu.memref_slice %arg8[%dma_wait3A_240, %dma_wait3A_247, %dma_wait3A_248] : memref<2x16x128xi32, #tpu.memory_space<vmem>> -> memref<1x16x128xi32, #tpu.memory_space<vmem>>
        %dma_wait3A_250 = tpu.memref_squeeze %dma_wait3A_249 : memref<1x16x128xi32, #tpu.memory_space<vmem>> -> memref<16x128xi32, #tpu.memory_space<vmem>>
        %dma_wait3A_251 = arith.constant 0 : i32
        %dma_wait3A_252 = tpu.memref_slice %arg4[%mul3A_23, %dma_wait3A_251] : memref<2560x128xi32, #tpu.memory_space<hbm>> -> memref<16x128xi32, #tpu.memory_space<hbm>>
        tpu.wait_dma2 semaphore(%arg15 : memref<!tpu.dma_semaphore, #tpu.memory_space<semaphore_mem>>) src(%dma_wait3A_252 : memref<16x128xi32, #tpu.memory_space<hbm>>) dst(%dma_wait3A_250 : memref<16x128xi32, #tpu.memory_space<vmem>>)
        %dma_wait3A_253 = arith.constant 0 : i32
        %dma_wait3A_254 = arith.constant 0 : i32
        %dma_wait3A_255 = arith.constant 0 : i32
        %dma_wait3A_256 = tpu.memref_slice %arg9[%dma_wait3A_253, %dma_wait3A_254, %dma_wait3A_255] : memref<2x16x128xf32, #tpu.memory_space<vmem>> -> memref<1x16x128xf32, #tpu.memory_space<vmem>>
        %dma_wait3A_257 = tpu.memref_squeeze %dma_wait3A_256 : memref<1x16x128xf32, #tpu.memory_space<vmem>> -> memref<16x128xf32, #tpu.memory_space<vmem>>
        %dma_wait3A_258 = arith.constant 0 : i32
        %dma_wait3A_259 = tpu.memref_slice %arg5[%mul3A_23, %dma_wait3A_258] : memref<2560x128xf32, #tpu.memory_space<hbm>> -> memref<16x128xf32, #tpu.memory_space<hbm>>
        %dma_wait3A_260 = arith.constant 0 : i32
        %dma_wait3A_261 = arith.constant 0 : i32
        %dma_wait3A_262 = tpu.memref_slice %arg9[%dma_wait3A_253, %dma_wait3A_260, %dma_wait3A_261] : memref<2x16x128xf32, #tpu.memory_space<vmem>> -> memref<1x16x128xf32, #tpu.memory_space<vmem>>
        %dma_wait3A_263 = tpu.memref_squeeze %dma_wait3A_262 : memref<1x16x128xf32, #tpu.memory_space<vmem>> -> memref<16x128xf32, #tpu.memory_space<vmem>>
        %dma_wait3A_264 = arith.constant 0 : i32
        %dma_wait3A_265 = tpu.memref_slice %arg5[%mul3A_23, %dma_wait3A_264] : memref<2560x128xf32, #tpu.memory_space<hbm>> -> memref<16x128xf32, #tpu.memory_space<hbm>>
        tpu.wait_dma2 semaphore(%arg15 : memref<!tpu.dma_semaphore, #tpu.memory_space<semaphore_mem>>) src(%dma_wait3A_265 : memref<16x128xf32, #tpu.memory_space<hbm>>) dst(%dma_wait3A_263 : memref<16x128xf32, #tpu.memory_space<vmem>>)
      } else {
      }
      %add3A_197 = arith.constant 1 : i32
      %add3A_198 = arith.addi %scan3A_177, %add3A_197 : i32
      %lt3A_199 = arith.constant 80 : i32
      %lt3A_200 = arith.cmpi slt, %add3A_198, %lt3A_199 : i32
      %convert_element_type3A_201 = arith.extui %lt3A_200 : i1 to i32
      %cond3A_202 = arith.constant 0 : i32
      %cond3A_203 = arith.cmpi ne, %convert_element_type3A_201, %cond3A_202 : i32
      scf.if %cond3A_203 {
        %ge3A = arith.constant 1 : i32
        %ge3A_227 = arith.cmpi sge, %scan3A_177, %ge3A : i32
        %convert_element_type3A_228 = arith.extui %ge3A_227 : i1 to i32
        %cond3A_229 = arith.constant 0 : i32
        %cond3A_230 = arith.cmpi ne, %convert_element_type3A_228, %cond3A_229 : i32
        scf.if %cond3A_230 {
          %eq3A_249 = arith.constant 0 : i32
          %eq3A_250 = arith.cmpi eq, %sub3A_180, %eq3A_249 : i32
          %convert_element_type3A_251 = arith.extui %eq3A_250 : i1 to i32
          %cond3A_252 = arith.constant 0 : i32
          %cond3A_253 = arith.cmpi ne, %convert_element_type3A_251, %cond3A_252 : i32
          scf.if %cond3A_253 {
            %dma_wait3A_259 = arith.constant 0 : i32
            %dma_wait3A_260 = arith.constant 0 : i32
            %dma_wait3A_261 = arith.constant 0 : i32
            %dma_wait3A_262 = arith.constant 0 : i32
            %dma_wait3A_263 = arith.constant 0 : i32
            %dma_wait3A_264 = tpu.memref_slice %arg10[%dma_wait3A_259, %dma_wait3A_262, %dma_wait3A_263] : memref<2x128x128xf32, #tpu.memory_space<vmem>> -> memref<1x128x128xf32, #tpu.memory_space<vmem>>
            %dma_wait3A_265 = tpu.memref_squeeze %dma_wait3A_264 : memref<1x128x128xf32, #tpu.memory_space<vmem>> -> memref<128x128xf32, #tpu.memory_space<vmem>>
            %dma_wait3A_266 = arith.constant 0 : i32
            %dma_wait3A_267 = tpu.memref_slice %arg8[%dma_wait3A_260, %dma_wait3A_261, %dma_wait3A_266] : memref<2x16x128xi32, #tpu.memory_space<vmem>> -> memref<1x1x128xi32, #tpu.memory_space<vmem>>
            %dma_wait3A_268 = tpu.memref_squeeze %dma_wait3A_267 : memref<1x1x128xi32, #tpu.memory_space<vmem>> -> memref<128xi32, #tpu.memory_space<vmem>>
            %dma_wait3A_269 = arith.constant 0 : i32
            %dma_wait3A_270 = arith.constant 0 : i32
            %dma_wait3A_271 = tpu.memref_slice %arg11[%dma_wait3A_269, %dma_wait3A_270] : memref<10240x128xf32, #tpu.memory_space<vmem_shared>> -> memref<10240x128xf32, #tpu.memory_space<vmem_shared>>
            tpu.wait_indirect_dma semaphore(%arg13 : memref<!tpu.dma_semaphore, #tpu.memory_space<semaphore_mem>>) src(%dma_wait3A_265 : memref<128x128xf32, #tpu.memory_space<vmem>>) dst(%dma_wait3A_271 : memref<10240x128xf32, #tpu.memory_space<vmem_shared>>)
          } else {
          }
          %eq3A_254 = arith.constant 1 : i32
          %eq3A_255 = arith.cmpi eq, %sub3A_180, %eq3A_254 : i32
          %convert_element_type3A_256 = arith.extui %eq3A_255 : i1 to i32
          %cond3A_257 = arith.constant 0 : i32
          %cond3A_258 = arith.cmpi ne, %convert_element_type3A_256, %cond3A_257 : i32
          scf.if %cond3A_258 {
            %dma_wait3A_259 = arith.constant 0 : i32
            %dma_wait3A_260 = arith.constant 0 : i32
            %dma_wait3A_261 = arith.constant 0 : i32
            %dma_wait3A_262 = arith.constant 0 : i32
            %dma_wait3A_263 = arith.constant 0 : i32
            %dma_wait3A_264 = tpu.memref_slice %arg10[%dma_wait3A_259, %dma_wait3A_262, %dma_wait3A_263] : memref<2x128x128xf32, #tpu.memory_space<vmem>> -> memref<1x128x128xf32, #tpu.memory_space<vmem>>
            %dma_wait3A_265 = tpu.memref_squeeze %dma_wait3A_264 : memref<1x128x128xf32, #tpu.memory_space<vmem>> -> memref<128x128xf32, #tpu.memory_space<vmem>>
            %dma_wait3A_266 = arith.constant 0 : i32
            %dma_wait3A_267 = tpu.memref_slice %arg8[%dma_wait3A_260, %dma_wait3A_261, %dma_wait3A_266] : memref<2x16x128xi32, #tpu.memory_space<vmem>> -> memref<1x1x128xi32, #tpu.memory_space<vmem>>
            %dma_wait3A_268 = tpu.memref_squeeze %dma_wait3A_267 : memref<1x1x128xi32, #tpu.memory_space<vmem>> -> memref<128xi32, #tpu.memory_space<vmem>>
            %dma_wait3A_269 = arith.constant 0 : i32
            %dma_wait3A_270 = arith.constant 0 : i32
            %dma_wait3A_271 = tpu.memref_slice %arg11[%dma_wait3A_269, %dma_wait3A_270] : memref<10240x128xf32, #tpu.memory_space<vmem_shared>> -> memref<10240x128xf32, #tpu.memory_space<vmem_shared>>
            tpu.wait_indirect_dma semaphore(%arg14 : memref<!tpu.dma_semaphore, #tpu.memory_space<semaphore_mem>>) src(%dma_wait3A_265 : memref<128x128xf32, #tpu.memory_space<vmem>>) dst(%dma_wait3A_271 : memref<10240x128xf32, #tpu.memory_space<vmem_shared>>)
          } else {
          }
        } else {
        }
        %add3A_231 = arith.constant 1 : i32
        %add3A_232 = arith.addi %scan3A_177, %add3A_231 : i32
        %div3A_233 = arith.constant 16 : i32
        %div3A_234 = arith.divsi %add3A_232, %div3A_233 : i32
        %rem3A_235 = arith.constant 16 : i32
        %rem3A_236 = arith.remsi %add3A_232, %rem3A_235 : i32
        %rem3A_237 = arith.constant 2 : i32
        %rem3A_238 = arith.remsi %div3A_234, %rem3A_237 : i32
        %dma_start3A_239 = arith.constant 0 : i32
        %dma_start3A_240 = arith.constant 0 : i32
        %dma_start3A_241 = tpu.memref_slice %arg10[%sub3A_180, %dma_start3A_239, %dma_start3A_240] : memref<2x128x128xf32, #tpu.memory_space<vmem>> -> memref<1x128x128xf32, #tpu.memory_space<vmem>>
        %dma_start3A_242 = tpu.memref_squeeze %dma_start3A_241 : memref<1x128x128xf32, #tpu.memory_space<vmem>> -> memref<128x128xf32, #tpu.memory_space<vmem>>
        %dma_start3A_243 = arith.constant 0 : i32
        %dma_start3A_244 = tpu.memref_slice %arg7[%rem3A_238, %rem3A_236, %dma_start3A_243] : memref<2x16x128xi32, #tpu.memory_space<vmem>> -> memref<1x1x128xi32, #tpu.memory_space<vmem>>
        %dma_start3A_245 = tpu.memref_squeeze %dma_start3A_244 : memref<1x1x128xi32, #tpu.memory_space<vmem>> -> memref<128xi32, #tpu.memory_space<vmem>>
        %dma_start3A_246 = arith.constant 0 : i32
        %dma_start3A_247 = arith.constant 0 : i32
        %dma_start3A_248 = tpu.memref_slice %arg2[%dma_start3A_246, %dma_start3A_247] : memref<10000x128xf32, #tpu.memory_space<hbm>> -> memref<10000x128xf32, #tpu.memory_space<hbm>>
        tpu.enqueue_indirect_dma source(%dma_start3A_248 : memref<10000x128xf32, #tpu.memory_space<hbm>>) target(%dma_start3A_242 : memref<128x128xf32, #tpu.memory_space<vmem>>) offsets(%dma_start3A_245 : memref<128xi32, #tpu.memory_space<vmem>>) semaphore(%arg12 : memref<!tpu.dma_semaphore, #tpu.memory_space<semaphore_mem>>)
      } else {
      }
      %dma_wait3A_204 = arith.constant 0 : i32
      %dma_wait3A_205 = arith.constant 0 : i32
      %dma_wait3A_206 = arith.constant 0 : i32
      %dma_wait3A_207 = arith.constant 0 : i32
      %dma_wait3A_208 = arith.constant 0 : i32
      %dma_wait3A_209 = tpu.memref_slice %arg10[%dma_wait3A_206, %dma_wait3A_207, %dma_wait3A_208] : memref<2x128x128xf32, #tpu.memory_space<vmem>> -> memref<1x128x128xf32, #tpu.memory_space<vmem>>
      %dma_wait3A_210 = tpu.memref_squeeze %dma_wait3A_209 : memref<1x128x128xf32, #tpu.memory_space<vmem>> -> memref<128x128xf32, #tpu.memory_space<vmem>>
      %dma_wait3A_211 = arith.constant 0 : i32
      %dma_wait3A_212 = tpu.memref_slice %arg7[%dma_wait3A_204, %dma_wait3A_205, %dma_wait3A_211] : memref<2x16x128xi32, #tpu.memory_space<vmem>> -> memref<1x1x128xi32, #tpu.memory_space<vmem>>
      %dma_wait3A_213 = tpu.memref_squeeze %dma_wait3A_212 : memref<1x1x128xi32, #tpu.memory_space<vmem>> -> memref<128xi32, #tpu.memory_space<vmem>>
      %dma_wait3A_214 = arith.constant 0 : i32
      %dma_wait3A_215 = arith.constant 0 : i32
      %dma_wait3A_216 = tpu.memref_slice %arg2[%dma_wait3A_214, %dma_wait3A_215] : memref<10000x128xf32, #tpu.memory_space<hbm>> -> memref<10000x128xf32, #tpu.memory_space<hbm>>
      tpu.wait_indirect_dma semaphore(%arg12 : memref<!tpu.dma_semaphore, #tpu.memory_space<semaphore_mem>>) src(%dma_wait3A_216 : memref<10000x128xf32, #tpu.memory_space<hbm>>) dst(%dma_wait3A_210 : memref<128x128xf32, #tpu.memory_space<vmem>>)
      %eq3A_217 = arith.constant 0 : i32
      %eq3A_218 = arith.cmpi eq, %rem3A_179, %eq3A_217 : i32
      %convert_element_type3A_219 = arith.extui %eq3A_218 : i1 to i32
      %cond3A_220 = arith.constant 0 : i32
      %cond3A_221 = arith.cmpi ne, %convert_element_type3A_219, %cond3A_220 : i32
      scf.if %cond3A_221 {
        %dma_start3A_227 = arith.constant 0 : i32
        %dma_start3A_228 = arith.constant 0 : i32
        %dma_start3A_229 = arith.constant 0 : i32
        %dma_start3A_230 = tpu.memref_slice %arg10[%dma_start3A_227, %dma_start3A_228, %dma_start3A_229] : memref<2x128x128xf32, #tpu.memory_space<vmem>> -> memref<1x128x128xf32, #tpu.memory_space<vmem>>
        %dma_start3A_231 = tpu.memref_squeeze %dma_start3A_230 : memref<1x128x128xf32, #tpu.memory_space<vmem>> -> memref<128x128xf32, #tpu.memory_space<vmem>>
        %dma_start3A_232 = arith.constant 0 : i32
        %dma_start3A_233 = tpu.memref_slice %arg8[%rem3A_185, %rem3A_183, %dma_start3A_232] : memref<2x16x128xi32, #tpu.memory_space<vmem>> -> memref<1x1x128xi32, #tpu.memory_space<vmem>>
        %dma_start3A_234 = tpu.memref_squeeze %dma_start3A_233 : memref<1x1x128xi32, #tpu.memory_space<vmem>> -> memref<128xi32, #tpu.memory_space<vmem>>
        %dma_start3A_235 = arith.constant 0 : i32
        %dma_start3A_236 = arith.constant 0 : i32
        %dma_start3A_237 = tpu.memref_slice %arg11[%dma_start3A_235, %dma_start3A_236] : memref<10240x128xf32, #tpu.memory_space<vmem_shared>> -> memref<10240x128xf32, #tpu.memory_space<vmem_shared>>
        tpu.enqueue_indirect_dma source(%dma_start3A_231 : memref<128x128xf32, #tpu.memory_space<vmem>>) target(%dma_start3A_237 : memref<10240x128xf32, #tpu.memory_space<vmem_shared>>) offsets(%dma_start3A_234 : memref<128xi32, #tpu.memory_space<vmem>>) semaphore(%arg13 : memref<!tpu.dma_semaphore, #tpu.memory_space<semaphore_mem>>) {add = true}
      } else {
      }
      %eq3A_222 = arith.constant 1 : i32
      %eq3A_223 = arith.cmpi eq, %rem3A_179, %eq3A_222 : i32
      %convert_element_type3A_224 = arith.extui %eq3A_223 : i1 to i32
      %cond3A_225 = arith.constant 0 : i32
      %cond3A_226 = arith.cmpi ne, %convert_element_type3A_224, %cond3A_225 : i32
      scf.if %cond3A_226 {
        %dma_start3A_227 = arith.constant 1 : i32
        %dma_start3A_228 = arith.constant 0 : i32
        %dma_start3A_229 = arith.constant 0 : i32
        %dma_start3A_230 = tpu.memref_slice %arg10[%dma_start3A_227, %dma_start3A_228, %dma_start3A_229] : memref<2x128x128xf32, #tpu.memory_space<vmem>> -> memref<1x128x128xf32, #tpu.memory_space<vmem>>
        %dma_start3A_231 = tpu.memref_squeeze %dma_start3A_230 : memref<1x128x128xf32, #tpu.memory_space<vmem>> -> memref<128x128xf32, #tpu.memory_space<vmem>>
        %dma_start3A_232 = arith.constant 0 : i32
        %dma_start3A_233 = tpu.memref_slice %arg8[%rem3A_185, %rem3A_183, %dma_start3A_232] : memref<2x16x128xi32, #tpu.memory_space<vmem>> -> memref<1x1x128xi32, #tpu.memory_space<vmem>>
        %dma_start3A_234 = tpu.memref_squeeze %dma_start3A_233 : memref<1x1x128xi32, #tpu.memory_space<vmem>> -> memref<128xi32, #tpu.memory_space<vmem>>
        %dma_start3A_235 = arith.constant 0 : i32
        %dma_start3A_236 = arith.constant 0 : i32
        %dma_start3A_237 = tpu.memref_slice %arg11[%dma_start3A_235, %dma_start3A_236] : memref<10240x128xf32, #tpu.memory_space<vmem_shared>> -> memref<10240x128xf32, #tpu.memory_space<vmem_shared>>
        tpu.enqueue_indirect_dma source(%dma_start3A_231 : memref<128x128xf32, #tpu.memory_space<vmem>>) target(%dma_start3A_237 : memref<10240x128xf32, #tpu.memory_space<vmem_shared>>) offsets(%dma_start3A_234 : memref<128xi32, #tpu.memory_space<vmem>>) semaphore(%arg14 : memref<!tpu.dma_semaphore, #tpu.memory_space<semaphore_mem>>) {add = true}
      } else {
      }
    }
    %scan3A_119 = arith.constant 80 : i32
    %dma_wait3A_120 = arith.constant 0 : i32
    %dma_wait3A_121 = arith.constant 0 : i32
    %dma_wait3A_122 = arith.constant 0 : i32
    %dma_wait3A_123 = arith.constant 0 : i32
    %dma_wait3A_124 = arith.constant 0 : i32
    %dma_wait3A_125 = tpu.memref_slice %arg10[%dma_wait3A_120, %dma_wait3A_123, %dma_wait3A_124] : memref<2x128x128xf32, #tpu.memory_space<vmem>> -> memref<1x128x128xf32, #tpu.memory_space<vmem>>
    %dma_wait3A_126 = tpu.memref_squeeze %dma_wait3A_125 : memref<1x128x128xf32, #tpu.memory_space<vmem>> -> memref<128x128xf32, #tpu.memory_space<vmem>>
    %dma_wait3A_127 = arith.constant 0 : i32
    %dma_wait3A_128 = tpu.memref_slice %arg8[%dma_wait3A_121, %dma_wait3A_122, %dma_wait3A_127] : memref<2x16x128xi32, #tpu.memory_space<vmem>> -> memref<1x1x128xi32, #tpu.memory_space<vmem>>
    %dma_wait3A_129 = tpu.memref_squeeze %dma_wait3A_128 : memref<1x1x128xi32, #tpu.memory_space<vmem>> -> memref<128xi32, #tpu.memory_space<vmem>>
    %dma_wait3A_130 = arith.constant 0 : i32
    %dma_wait3A_131 = arith.constant 0 : i32
    %dma_wait3A_132 = tpu.memref_slice %arg11[%dma_wait3A_130, %dma_wait3A_131] : memref<10240x128xf32, #tpu.memory_space<vmem_shared>> -> memref<10240x128xf32, #tpu.memory_space<vmem_shared>>
    tpu.wait_indirect_dma semaphore(%arg13 : memref<!tpu.dma_semaphore, #tpu.memory_space<semaphore_mem>>) src(%dma_wait3A_126 : memref<128x128xf32, #tpu.memory_space<vmem>>) dst(%dma_wait3A_132 : memref<10240x128xf32, #tpu.memory_space<vmem_shared>>)
    %dma_wait3A_133 = arith.constant 0 : i32
    %dma_wait3A_134 = arith.constant 0 : i32
    %dma_wait3A_135 = arith.constant 0 : i32
    %dma_wait3A_136 = arith.constant 0 : i32
    %dma_wait3A_137 = arith.constant 0 : i32
    %dma_wait3A_138 = tpu.memref_slice %arg10[%dma_wait3A_133, %dma_wait3A_136, %dma_wait3A_137] : memref<2x128x128xf32, #tpu.memory_space<vmem>> -> memref<1x128x128xf32, #tpu.memory_space<vmem>>
    %dma_wait3A_139 = tpu.memref_squeeze %dma_wait3A_138 : memref<1x128x128xf32, #tpu.memory_space<vmem>> -> memref<128x128xf32, #tpu.memory_space<vmem>>
    %dma_wait3A_140 = arith.constant 0 : i32
    %dma_wait3A_141 = tpu.memref_slice %arg8[%dma_wait3A_134, %dma_wait3A_135, %dma_wait3A_140] : memref<2x16x128xi32, #tpu.memory_space<vmem>> -> memref<1x1x128xi32, #tpu.memory_space<vmem>>
    %dma_wait3A_142 = tpu.memref_squeeze %dma_wait3A_141 : memref<1x1x128xi32, #tpu.memory_space<vmem>> -> memref<128xi32, #tpu.memory_space<vmem>>
    %dma_wait3A_143 = arith.constant 0 : i32
    %dma_wait3A_144 = arith.constant 0 : i32
    %dma_wait3A_145 = tpu.memref_slice %arg11[%dma_wait3A_143, %dma_wait3A_144] : memref<10240x128xf32, #tpu.memory_space<vmem_shared>> -> memref<10240x128xf32, #tpu.memory_space<vmem_shared>>
    tpu.wait_indirect_dma semaphore(%arg14 : memref<!tpu.dma_semaphore, #tpu.memory_space<semaphore_mem>>) src(%dma_wait3A_139 : memref<128x128xf32, #tpu.memory_space<vmem>>) dst(%dma_wait3A_145 : memref<10240x128xf32, #tpu.memory_space<vmem_shared>>)
    %barrier3A_146 = arith.constant 0 : index
    tpu.barrier barrier_id(%barrier3A_146)
    %add3A_147 = arith.constant 0 : i32
    %add3A_148 = arith.addi %mul3A_7, %add3A_147 : i32
    %run_scoped3A_149 = arith.constant 0 : i32
    "tpu.region"() ({
      %run_scoped3A_177 = tpu.sem_alloc : memref<!tpu.dma_semaphore, #tpu.memory_space<semaphore_mem>>
      %dma_start3A_178 = arith.constant 0 : i32
      %dma_start3A_179 = arith.constant 0 : i32
      %dma_start3A_180 = tpu.memref_slice %arg10[%run_scoped3A_149, %dma_start3A_178, %dma_start3A_179] : memref<2x128x128xf32, #tpu.memory_space<vmem>> -> memref<1x128x128xf32, #tpu.memory_space<vmem>>
      %dma_start3A_181 = tpu.memref_squeeze %dma_start3A_180 : memref<1x128x128xf32, #tpu.memory_space<vmem>> -> memref<128x128xf32, #tpu.memory_space<vmem>>
      %dma_start3A_182 = arith.constant 0 : i32
      %dma_start3A_183 = tpu.memref_slice %arg11[%add3A_148, %dma_start3A_182] : memref<10240x128xf32, #tpu.memory_space<vmem_shared>> -> memref<128x128xf32, #tpu.memory_space<vmem_shared>>
      %dma_start3A_184 = arith.constant 0 : i32
      %dma_start3A_185 = arith.constant 0 : i32
      %dma_start3A_186 = tpu.memref_slice %arg10[%run_scoped3A_149, %dma_start3A_184, %dma_start3A_185] : memref<2x128x128xf32, #tpu.memory_space<vmem>> -> memref<1x128x128xf32, #tpu.memory_space<vmem>>
      %dma_start3A_187 = tpu.memref_squeeze %dma_start3A_186 : memref<1x128x128xf32, #tpu.memory_space<vmem>> -> memref<128x128xf32, #tpu.memory_space<vmem>>
      %dma_start3A_188 = arith.constant 0 : i32
      %dma_start3A_189 = tpu.memref_slice %arg11[%add3A_148, %dma_start3A_188] : memref<10240x128xf32, #tpu.memory_space<vmem_shared>> -> memref<128x128xf32, #tpu.memory_space<vmem_shared>>
      tpu.enqueue_dma source(%dma_start3A_189 : memref<128x128xf32, #tpu.memory_space<vmem_shared>>) target(%dma_start3A_187 : memref<128x128xf32, #tpu.memory_space<vmem>>) target_semaphore(%run_scoped3A_177 : memref<!tpu.dma_semaphore, #tpu.memory_space<semaphore_mem>>)
      %dma_wait3A_190 = arith.constant 0 : i32
      %dma_wait3A_191 = arith.constant 0 : i32
      %dma_wait3A_192 = tpu.memref_slice %arg10[%run_scoped3A_149, %dma_wait3A_190, %dma_wait3A_191] : memref<2x128x128xf32, #tpu.memory_space<vmem>> -> memref<1x128x128xf32, #tpu.memory_space<vmem>>
      %dma_wait3A_193 = tpu.memref_squeeze %dma_wait3A_192 : memref<1x128x128xf32, #tpu.memory_space<vmem>> -> memref<128x128xf32, #tpu.memory_space<vmem>>
      %dma_wait3A_194 = arith.constant 0 : i32
      %dma_wait3A_195 = tpu.memref_slice %arg11[%add3A_148, %dma_wait3A_194] : memref<10240x128xf32, #tpu.memory_space<vmem_shared>> -> memref<128x128xf32, #tpu.memory_space<vmem_shared>>
      %dma_wait3A_196 = arith.constant 0 : i32
      %dma_wait3A_197 = arith.constant 0 : i32
      %dma_wait3A_198 = tpu.memref_slice %arg10[%run_scoped3A_149, %dma_wait3A_196, %dma_wait3A_197] : memref<2x128x128xf32, #tpu.memory_space<vmem>> -> memref<1x128x128xf32, #tpu.memory_space<vmem>>
      %dma_wait3A_199 = tpu.memref_squeeze %dma_wait3A_198 : memref<1x128x128xf32, #tpu.memory_space<vmem>> -> memref<128x128xf32, #tpu.memory_space<vmem>>
      %dma_wait3A_200 = arith.constant 0 : i32
      %dma_wait3A_201 = tpu.memref_slice %arg11[%add3A_148, %dma_wait3A_200] : memref<10240x128xf32, #tpu.memory_space<vmem_shared>> -> memref<128x128xf32, #tpu.memory_space<vmem_shared>>
      tpu.wait_dma2 semaphore(%run_scoped3A_177 : memref<!tpu.dma_semaphore, #tpu.memory_space<semaphore_mem>>) src(%dma_wait3A_201 : memref<128x128xf32, #tpu.memory_space<vmem_shared>>) dst(%dma_wait3A_199 : memref<128x128xf32, #tpu.memory_space<vmem>>)
      tpu.yield
    }) : () -> ()
    %add3A_150 = arith.constant 0 : i32
    %add3A_151 = arith.addi %mul3A_7, %add3A_150 : i32
    %run_scoped3A_152 = arith.constant 0 : i32
    "tpu.region"() ({
      %run_scoped3A_177 = tpu.sem_alloc : memref<!tpu.dma_semaphore, #tpu.memory_space<semaphore_mem>>
      %dma_start3A_178 = arith.constant 0 : i32
      %dma_start3A_179 = arith.constant 0 : i32
      %dma_start3A_180 = tpu.memref_slice %arg10[%run_scoped3A_152, %dma_start3A_178, %dma_start3A_179] : memref<2x128x128xf32, #tpu.memory_space<vmem>> -> memref<1x128x128xf32, #tpu.memory_space<vmem>>
      %dma_start3A_181 = tpu.memref_squeeze %dma_start3A_180 : memref<1x128x128xf32, #tpu.memory_space<vmem>> -> memref<128x128xf32, #tpu.memory_space<vmem>>
      %dma_start3A_182 = arith.constant 0 : i32
      %dma_start3A_183 = tpu.memref_slice %arg6[%arg0, %add3A_151, %dma_start3A_182] : memref<2x10240x128xf32, #tpu.memory_space<hbm>> -> memref<1x128x128xf32, #tpu.memory_space<hbm>>
      %dma_start3A_184 = tpu.memref_squeeze %dma_start3A_183 : memref<1x128x128xf32, #tpu.memory_space<hbm>> -> memref<128x128xf32, #tpu.memory_space<hbm>>
      %dma_start3A_185 = arith.constant 0 : i32
      %dma_start3A_186 = tpu.memref_slice %arg6[%arg0, %add3A_151, %dma_start3A_185] : memref<2x10240x128xf32, #tpu.memory_space<hbm>> -> memref<1x128x128xf32, #tpu.memory_space<hbm>>
      %dma_start3A_187 = tpu.memref_squeeze %dma_start3A_186 : memref<1x128x128xf32, #tpu.memory_space<hbm>> -> memref<128x128xf32, #tpu.memory_space<hbm>>
      %dma_start3A_188 = arith.constant 0 : i32
      %dma_start3A_189 = arith.constant 0 : i32
      %dma_start3A_190 = tpu.memref_slice %arg10[%run_scoped3A_152, %dma_start3A_188, %dma_start3A_189] : memref<2x128x128xf32, #tpu.memory_space<vmem>> -> memref<1x128x128xf32, #tpu.memory_space<vmem>>
      %dma_start3A_191 = tpu.memref_squeeze %dma_start3A_190 : memref<1x128x128xf32, #tpu.memory_space<vmem>> -> memref<128x128xf32, #tpu.memory_space<vmem>>
      tpu.enqueue_dma source(%dma_start3A_191 : memref<128x128xf32, #tpu.memory_space<vmem>>) target(%dma_start3A_187 : memref<128x128xf32, #tpu.memory_space<hbm>>) target_semaphore(%run_scoped3A_177 : memref<!tpu.dma_semaphore, #tpu.memory_space<semaphore_mem>>)
      %dma_wait3A_192 = arith.constant 0 : i32
      %dma_wait3A_193 = arith.constant 0 : i32
      %dma_wait3A_194 = tpu.memref_slice %arg10[%run_scoped3A_152, %dma_wait3A_192, %dma_wait3A_193] : memref<2x128x128xf32, #tpu.memory_space<vmem>> -> memref<1x128x128xf32, #tpu.memory_space<vmem>>
      %dma_wait3A_195 = tpu.memref_squeeze %dma_wait3A_194 : memref<1x128x128xf32, #tpu.memory_space<vmem>> -> memref<128x128xf32, #tpu.memory_space<vmem>>
      %dma_wait3A_196 = arith.constant 0 : i32
      %dma_wait3A_197 = tpu.memref_slice %arg6[%arg0, %add3A_151, %dma_wait3A_196] : memref<2x10240x128xf32, #tpu.memory_space<hbm>> -> memref<1x128x128xf32, #tpu.memory_space<hbm>>
      %dma_wait3A_198 = tpu.memref_squeeze %dma_wait3A_197 : memref<1x128x128xf32, #tpu.memory_space<hbm>> -> memref<128x128xf32, #tpu.memory_space<hbm>>
      %dma_wait3A_199 = arith.constant 0 : i32
      %dma_wait3A_200 = tpu.memref_slice %arg6[%arg0, %add3A_151, %dma_wait3A_199] : memref<2x10240x128xf32, #tpu.memory_space<hbm>> -> memref<1x128x128xf32, #tpu.memory_space<hbm>>
      %dma_wait3A_201 = tpu.memref_squeeze %dma_wait3A_200 : memref<1x128x128xf32, #tpu.memory_space<hbm>> -> memref<128x128xf32, #tpu.memory_space<hbm>>
      %dma_wait3A_202 = arith.constant 0 : i32
      %dma_wait3A_203 = arith.constant 0 : i32
      %dma_wait3A_204 = tpu.memref_slice %arg10[%run_scoped3A_152, %dma_wait3A_202, %dma_wait3A_203] : memref<2x128x128xf32, #tpu.memory_space<vmem>> -> memref<1x128x128xf32, #tpu.memory_space<vmem>>
      %dma_wait3A_205 = tpu.memref_squeeze %dma_wait3A_204 : memref<1x128x128xf32, #tpu.memory_space<vmem>> -> memref<128x128xf32, #tpu.memory_space<vmem>>
      tpu.wait_dma2 semaphore(%run_scoped3A_177 : memref<!tpu.dma_semaphore, #tpu.memory_space<semaphore_mem>>) src(%dma_wait3A_205 : memref<128x128xf32, #tpu.memory_space<vmem>>) dst(%dma_wait3A_201 : memref<128x128xf32, #tpu.memory_space<hbm>>)
      tpu.yield
    }) : () -> ()
    %add3A_153 = arith.constant 128 : i32
    %add3A_154 = arith.addi %mul3A_7, %add3A_153 : i32
    %run_scoped3A_155 = arith.constant 0 : i32
    "tpu.region"() ({
      %run_scoped3A_177 = tpu.sem_alloc : memref<!tpu.dma_semaphore, #tpu.memory_space<semaphore_mem>>
      %dma_start3A_178 = arith.constant 0 : i32
      %dma_start3A_179 = arith.constant 0 : i32
      %dma_start3A_180 = tpu.memref_slice %arg10[%run_scoped3A_155, %dma_start3A_178, %dma_start3A_179] : memref<2x128x128xf32, #tpu.memory_space<vmem>> -> memref<1x128x128xf32, #tpu.memory_space<vmem>>
      %dma_start3A_181 = tpu.memref_squeeze %dma_start3A_180 : memref<1x128x128xf32, #tpu.memory_space<vmem>> -> memref<128x128xf32, #tpu.memory_space<vmem>>
      %dma_start3A_182 = arith.constant 0 : i32
      %dma_start3A_183 = tpu.memref_slice %arg11[%add3A_154, %dma_start3A_182] : memref<10240x128xf32, #tpu.memory_space<vmem_shared>> -> memref<128x128xf32, #tpu.memory_space<vmem_shared>>
      %dma_start3A_184 = arith.constant 0 : i32
      %dma_start3A_185 = arith.constant 0 : i32
      %dma_start3A_186 = tpu.memref_slice %arg10[%run_scoped3A_155, %dma_start3A_184, %dma_start3A_185] : memref<2x128x128xf32, #tpu.memory_space<vmem>> -> memref<1x128x128xf32, #tpu.memory_space<vmem>>
      %dma_start3A_187 = tpu.memref_squeeze %dma_start3A_186 : memref<1x128x128xf32, #tpu.memory_space<vmem>> -> memref<128x128xf32, #tpu.memory_space<vmem>>
      %dma_start3A_188 = arith.constant 0 : i32
      %dma_start3A_189 = tpu.memref_slice %arg11[%add3A_154, %dma_start3A_188] : memref<10240x128xf32, #tpu.memory_space<vmem_shared>> -> memref<128x128xf32, #tpu.memory_space<vmem_shared>>
      tpu.enqueue_dma source(%dma_start3A_189 : memref<128x128xf32, #tpu.memory_space<vmem_shared>>) target(%dma_start3A_187 : memref<128x128xf32, #tpu.memory_space<vmem>>) target_semaphore(%run_scoped3A_177 : memref<!tpu.dma_semaphore, #tpu.memory_space<semaphore_mem>>)
      %dma_wait3A_190 = arith.constant 0 : i32
      %dma_wait3A_191 = arith.constant 0 : i32
      %dma_wait3A_192 = tpu.memref_slice %arg10[%run_scoped3A_155, %dma_wait3A_190, %dma_wait3A_191] : memref<2x128x128xf32, #tpu.memory_space<vmem>> -> memref<1x128x128xf32, #tpu.memory_space<vmem>>
      %dma_wait3A_193 = tpu.memref_squeeze %dma_wait3A_192 : memref<1x128x128xf32, #tpu.memory_space<vmem>> -> memref<128x128xf32, #tpu.memory_space<vmem>>
      %dma_wait3A_194 = arith.constant 0 : i32
      %dma_wait3A_195 = tpu.memref_slice %arg11[%add3A_154, %dma_wait3A_194] : memref<10240x128xf32, #tpu.memory_space<vmem_shared>> -> memref<128x128xf32, #tpu.memory_space<vmem_shared>>
      %dma_wait3A_196 = arith.constant 0 : i32
      %dma_wait3A_197 = arith.constant 0 : i32
      %dma_wait3A_198 = tpu.memref_slice %arg10[%run_scoped3A_155, %dma_wait3A_196, %dma_wait3A_197] : memref<2x128x128xf32, #tpu.memory_space<vmem>> -> memref<1x128x128xf32, #tpu.memory_space<vmem>>
      %dma_wait3A_199 = tpu.memref_squeeze %dma_wait3A_198 : memref<1x128x128xf32, #tpu.memory_space<vmem>> -> memref<128x128xf32, #tpu.memory_space<vmem>>
      %dma_wait3A_200 = arith.constant 0 : i32
      %dma_wait3A_201 = tpu.memref_slice %arg11[%add3A_154, %dma_wait3A_200] : memref<10240x128xf32, #tpu.memory_space<vmem_shared>> -> memref<128x128xf32, #tpu.memory_space<vmem_shared>>
      tpu.wait_dma2 semaphore(%run_scoped3A_177 : memref<!tpu.dma_semaphore, #tpu.memory_space<semaphore_mem>>) src(%dma_wait3A_201 : memref<128x128xf32, #tpu.memory_space<vmem_shared>>) dst(%dma_wait3A_199 : memref<128x128xf32, #tpu.memory_space<vmem>>)
      tpu.yield
    }) : () -> ()
    %add3A_156 = arith.constant 128 : i32
    %add3A_157 = arith.addi %mul3A_7, %add3A_156 : i32
    %run_scoped3A_158 = arith.constant 0 : i32
    "tpu.region"() ({
      %run_scoped3A_177 = tpu.sem_alloc : memref<!tpu.dma_semaphore, #tpu.memory_space<semaphore_mem>>
      %dma_start3A_178 = arith.constant 0 : i32
      %dma_start3A_179 = arith.constant 0 : i32
      %dma_start3A_180 = tpu.memref_slice %arg10[%run_scoped3A_158, %dma_start3A_178, %dma_start3A_179] : memref<2x128x128xf32, #tpu.memory_space<vmem>> -> memref<1x128x128xf32, #tpu.memory_space<vmem>>
      %dma_start3A_181 = tpu.memref_squeeze %dma_start3A_180 : memref<1x128x128xf32, #tpu.memory_space<vmem>> -> memref<128x128xf32, #tpu.memory_space<vmem>>
      %dma_start3A_182 = arith.constant 0 : i32
      %dma_start3A_183 = tpu.memref_slice %arg6[%arg0, %add3A_157, %dma_start3A_182] : memref<2x10240x128xf32, #tpu.memory_space<hbm>> -> memref<1x128x128xf32, #tpu.memory_space<hbm>>
      %dma_start3A_184 = tpu.memref_squeeze %dma_start3A_183 : memref<1x128x128xf32, #tpu.memory_space<hbm>> -> memref<128x128xf32, #tpu.memory_space<hbm>>
      %dma_start3A_185 = arith.constant 0 : i32
      %dma_start3A_186 = tpu.memref_slice %arg6[%arg0, %add3A_157, %dma_start3A_185] : memref<2x10240x128xf32, #tpu.memory_space<hbm>> -> memref<1x128x128xf32, #tpu.memory_space<hbm>>
      %dma_start3A_187 = tpu.memref_squeeze %dma_start3A_186 : memref<1x128x128xf32, #tpu.memory_space<hbm>> -> memref<128x128xf32, #tpu.memory_space<hbm>>
      %dma_start3A_188 = arith.constant 0 : i32
      %dma_start3A_189 = arith.constant 0 : i32
      %dma_start3A_190 = tpu.memref_slice %arg10[%run_scoped3A_158, %dma_start3A_188, %dma_start3A_189] : memref<2x128x128xf32, #tpu.memory_space<vmem>> -> memref<1x128x128xf32, #tpu.memory_space<vmem>>
      %dma_start3A_191 = tpu.memref_squeeze %dma_start3A_190 : memref<1x128x128xf32, #tpu.memory_space<vmem>> -> memref<128x128xf32, #tpu.memory_space<vmem>>
      tpu.enqueue_dma source(%dma_start3A_191 : memref<128x128xf32, #tpu.memory_space<vmem>>) target(%dma_start3A_187 : memref<128x128xf32, #tpu.memory_space<hbm>>) target_semaphore(%run_scoped3A_177 : memref<!tpu.dma_semaphore, #tpu.memory_space<semaphore_mem>>)
      %dma_wait3A_192 = arith.constant 0 : i32
      %dma_wait3A_193 = arith.constant 0 : i32
      %dma_wait3A_194 = tpu.memref_slice %arg10[%run_scoped3A_158, %dma_wait3A_192, %dma_wait3A_193] : memref<2x128x128xf32, #tpu.memory_space<vmem>> -> memref<1x128x128xf32, #tpu.memory_space<vmem>>
      %dma_wait3A_195 = tpu.memref_squeeze %dma_wait3A_194 : memref<1x128x128xf32, #tpu.memory_space<vmem>> -> memref<128x128xf32, #tpu.memory_space<vmem>>
      %dma_wait3A_196 = arith.constant 0 : i32
      %dma_wait3A_197 = tpu.memref_slice %arg6[%arg0, %add3A_157, %dma_wait3A_196] : memref<2x10240x128xf32, #tpu.memory_space<hbm>> -> memref<1x128x128xf32, #tpu.memory_space<hbm>>
      %dma_wait3A_198 = tpu.memref_squeeze %dma_wait3A_197 : memref<1x128x128xf32, #tpu.memory_space<hbm>> -> memref<128x128xf32, #tpu.memory_space<hbm>>
      %dma_wait3A_199 = arith.constant 0 : i32
      %dma_wait3A_200 = tpu.memref_slice %arg6[%arg0, %add3A_157, %dma_wait3A_199] : memref<2x10240x128xf32, #tpu.memory_space<hbm>> -> memref<1x128x128xf32, #tpu.memory_space<hbm>>
      %dma_wait3A_201 = tpu.memref_squeeze %dma_wait3A_200 : memref<1x128x128xf32, #tpu.memory_space<hbm>> -> memref<128x128xf32, #tpu.memory_space<hbm>>
      %dma_wait3A_202 = arith.constant 0 : i32
      %dma_wait3A_203 = arith.constant 0 : i32
      %dma_wait3A_204 = tpu.memref_slice %arg10[%run_scoped3A_158, %dma_wait3A_202, %dma_wait3A_203] : memref<2x128x128xf32, #tpu.memory_space<vmem>> -> memref<1x128x128xf32, #tpu.memory_space<vmem>>
      %dma_wait3A_205 = tpu.memref_squeeze %dma_wait3A_204 : memref<1x128x128xf32, #tpu.memory_space<vmem>> -> memref<128x128xf32, #tpu.memory_space<vmem>>
      tpu.wait_dma2 semaphore(%run_scoped3A_177 : memref<!tpu.dma_semaphore, #tpu.memory_space<semaphore_mem>>) src(%dma_wait3A_205 : memref<128x128xf32, #tpu.memory_space<vmem>>) dst(%dma_wait3A_201 : memref<128x128xf32, #tpu.memory_space<hbm>>)
      tpu.yield
    }) : () -> ()
    %add3A_159 = arith.constant 256 : i32
    %add3A_160 = arith.addi %mul3A_7, %add3A_159 : i32
    %run_scoped3A_161 = arith.constant 0 : i32
    "tpu.region"() ({
      %run_scoped3A_177 = tpu.sem_alloc : memref<!tpu.dma_semaphore, #tpu.memory_space<semaphore_mem>>
      %dma_start3A_178 = arith.constant 0 : i32
      %dma_start3A_179 = arith.constant 0 : i32
      %dma_start3A_180 = tpu.memref_slice %arg10[%run_scoped3A_161, %dma_start3A_178, %dma_start3A_179] : memref<2x128x128xf32, #tpu.memory_space<vmem>> -> memref<1x128x128xf32, #tpu.memory_space<vmem>>
      %dma_start3A_181 = tpu.memref_squeeze %dma_start3A_180 : memref<1x128x128xf32, #tpu.memory_space<vmem>> -> memref<128x128xf32, #tpu.memory_space<vmem>>
      %dma_start3A_182 = arith.constant 0 : i32
      %dma_start3A_183 = tpu.memref_slice %arg11[%add3A_160, %dma_start3A_182] : memref<10240x128xf32, #tpu.memory_space<vmem_shared>> -> memref<128x128xf32, #tpu.memory_space<vmem_shared>>
      %dma_start3A_184 = arith.constant 0 : i32
      %dma_start3A_185 = arith.constant 0 : i32
      %dma_start3A_186 = tpu.memref_slice %arg10[%run_scoped3A_161, %dma_start3A_184, %dma_start3A_185] : memref<2x128x128xf32, #tpu.memory_space<vmem>> -> memref<1x128x128xf32, #tpu.memory_space<vmem>>
      %dma_start3A_187 = tpu.memref_squeeze %dma_start3A_186 : memref<1x128x128xf32, #tpu.memory_space<vmem>> -> memref<128x128xf32, #tpu.memory_space<vmem>>
      %dma_start3A_188 = arith.constant 0 : i32
      %dma_start3A_189 = tpu.memref_slice %arg11[%add3A_160, %dma_start3A_188] : memref<10240x128xf32, #tpu.memory_space<vmem_shared>> -> memref<128x128xf32, #tpu.memory_space<vmem_shared>>
      tpu.enqueue_dma source(%dma_start3A_189 : memref<128x128xf32, #tpu.memory_space<vmem_shared>>) target(%dma_start3A_187 : memref<128x128xf32, #tpu.memory_space<vmem>>) target_semaphore(%run_scoped3A_177 : memref<!tpu.dma_semaphore, #tpu.memory_space<semaphore_mem>>)
      %dma_wait3A_190 = arith.constant 0 : i32
      %dma_wait3A_191 = arith.constant 0 : i32
      %dma_wait3A_192 = tpu.memref_slice %arg10[%run_scoped3A_161, %dma_wait3A_190, %dma_wait3A_191] : memref<2x128x128xf32, #tpu.memory_space<vmem>> -> memref<1x128x128xf32, #tpu.memory_space<vmem>>
      %dma_wait3A_193 = tpu.memref_squeeze %dma_wait3A_192 : memref<1x128x128xf32, #tpu.memory_space<vmem>> -> memref<128x128xf32, #tpu.memory_space<vmem>>
      %dma_wait3A_194 = arith.constant 0 : i32
      %dma_wait3A_195 = tpu.memref_slice %arg11[%add3A_160, %dma_wait3A_194] : memref<10240x128xf32, #tpu.memory_space<vmem_shared>> -> memref<128x128xf32, #tpu.memory_space<vmem_shared>>
      %dma_wait3A_196 = arith.constant 0 : i32
      %dma_wait3A_197 = arith.constant 0 : i32
      %dma_wait3A_198 = tpu.memref_slice %arg10[%run_scoped3A_161, %dma_wait3A_196, %dma_wait3A_197] : memref<2x128x128xf32, #tpu.memory_space<vmem>> -> memref<1x128x128xf32, #tpu.memory_space<vmem>>
      %dma_wait3A_199 = tpu.memref_squeeze %dma_wait3A_198 : memref<1x128x128xf32, #tpu.memory_space<vmem>> -> memref<128x128xf32, #tpu.memory_space<vmem>>
      %dma_wait3A_200 = arith.constant 0 : i32
      %dma_wait3A_201 = tpu.memref_slice %arg11[%add3A_160, %dma_wait3A_200] : memref<10240x128xf32, #tpu.memory_space<vmem_shared>> -> memref<128x128xf32, #tpu.memory_space<vmem_shared>>
      tpu.wait_dma2 semaphore(%run_scoped3A_177 : memref<!tpu.dma_semaphore, #tpu.memory_space<semaphore_mem>>) src(%dma_wait3A_201 : memref<128x128xf32, #tpu.memory_space<vmem_shared>>) dst(%dma_wait3A_199 : memref<128x128xf32, #tpu.memory_space<vmem>>)
      tpu.yield
    }) : () -> ()
    %add3A_162 = arith.constant 256 : i32
    %add3A_163 = arith.addi %mul3A_7, %add3A_162 : i32
    %run_scoped3A_164 = arith.constant 0 : i32
    "tpu.region"() ({
      %run_scoped3A_177 = tpu.sem_alloc : memref<!tpu.dma_semaphore, #tpu.memory_space<semaphore_mem>>
      %dma_start3A_178 = arith.constant 0 : i32
      %dma_start3A_179 = arith.constant 0 : i32
      %dma_start3A_180 = tpu.memref_slice %arg10[%run_scoped3A_164, %dma_start3A_178, %dma_start3A_179] : memref<2x128x128xf32, #tpu.memory_space<vmem>> -> memref<1x128x128xf32, #tpu.memory_space<vmem>>
      %dma_start3A_181 = tpu.memref_squeeze %dma_start3A_180 : memref<1x128x128xf32, #tpu.memory_space<vmem>> -> memref<128x128xf32, #tpu.memory_space<vmem>>
      %dma_start3A_182 = arith.constant 0 : i32
      %dma_start3A_183 = tpu.memref_slice %arg6[%arg0, %add3A_163, %dma_start3A_182] : memref<2x10240x128xf32, #tpu.memory_space<hbm>> -> memref<1x128x128xf32, #tpu.memory_space<hbm>>
      %dma_start3A_184 = tpu.memref_squeeze %dma_start3A_183 : memref<1x128x128xf32, #tpu.memory_space<hbm>> -> memref<128x128xf32, #tpu.memory_space<hbm>>
      %dma_start3A_185 = arith.constant 0 : i32
      %dma_start3A_186 = tpu.memref_slice %arg6[%arg0, %add3A_163, %dma_start3A_185] : memref<2x10240x128xf32, #tpu.memory_space<hbm>> -> memref<1x128x128xf32, #tpu.memory_space<hbm>>
      %dma_start3A_187 = tpu.memref_squeeze %dma_start3A_186 : memref<1x128x128xf32, #tpu.memory_space<hbm>> -> memref<128x128xf32, #tpu.memory_space<hbm>>
      %dma_start3A_188 = arith.constant 0 : i32
      %dma_start3A_189 = arith.constant 0 : i32
      %dma_start3A_190 = tpu.memref_slice %arg10[%run_scoped3A_164, %dma_start3A_188, %dma_start3A_189] : memref<2x128x128xf32, #tpu.memory_space<vmem>> -> memref<1x128x128xf32, #tpu.memory_space<vmem>>
      %dma_start3A_191 = tpu.memref_squeeze %dma_start3A_190 : memref<1x128x128xf32, #tpu.memory_space<vmem>> -> memref<128x128xf32, #tpu.memory_space<vmem>>
      tpu.enqueue_dma source(%dma_start3A_191 : memref<128x128xf32, #tpu.memory_space<vmem>>) target(%dma_start3A_187 : memref<128x128xf32, #tpu.memory_space<hbm>>) target_semaphore(%run_scoped3A_177 : memref<!tpu.dma_semaphore, #tpu.memory_space<semaphore_mem>>)
      %dma_wait3A_192 = arith.constant 0 : i32
      %dma_wait3A_193 = arith.constant 0 : i32
      %dma_wait3A_194 = tpu.memref_slice %arg10[%run_scoped3A_164, %dma_wait3A_192, %dma_wait3A_193] : memref<2x128x128xf32, #tpu.memory_space<vmem>> -> memref<1x128x128xf32, #tpu.memory_space<vmem>>
      %dma_wait3A_195 = tpu.memref_squeeze %dma_wait3A_194 : memref<1x128x128xf32, #tpu.memory_space<vmem>> -> memref<128x128xf32, #tpu.memory_space<vmem>>
      %dma_wait3A_196 = arith.constant 0 : i32
      %dma_wait3A_197 = tpu.memref_slice %arg6[%arg0, %add3A_163, %dma_wait3A_196] : memref<2x10240x128xf32, #tpu.memory_space<hbm>> -> memref<1x128x128xf32, #tpu.memory_space<hbm>>
      %dma_wait3A_198 = tpu.memref_squeeze %dma_wait3A_197 : memref<1x128x128xf32, #tpu.memory_space<hbm>> -> memref<128x128xf32, #tpu.memory_space<hbm>>
      %dma_wait3A_199 = arith.constant 0 : i32
      %dma_wait3A_200 = tpu.memref_slice %arg6[%arg0, %add3A_163, %dma_wait3A_199] : memref<2x10240x128xf32, #tpu.memory_space<hbm>> -> memref<1x128x128xf32, #tpu.memory_space<hbm>>
      %dma_wait3A_201 = tpu.memref_squeeze %dma_wait3A_200 : memref<1x128x128xf32, #tpu.memory_space<hbm>> -> memref<128x128xf32, #tpu.memory_space<hbm>>
      %dma_wait3A_202 = arith.constant 0 : i32
      %dma_wait3A_203 = arith.constant 0 : i32
      %dma_wait3A_204 = tpu.memref_slice %arg10[%run_scoped3A_164, %dma_wait3A_202, %dma_wait3A_203] : memref<2x128x128xf32, #tpu.memory_space<vmem>> -> memref<1x128x128xf32, #tpu.memory_space<vmem>>
      %dma_wait3A_205 = tpu.memref_squeeze %dma_wait3A_204 : memref<1x128x128xf32, #tpu.memory_space<vmem>> -> memref<128x128xf32, #tpu.memory_space<vmem>>
      tpu.wait_dma2 semaphore(%run_scoped3A_177 : memref<!tpu.dma_semaphore, #tpu.memory_space<semaphore_mem>>) src(%dma_wait3A_205 : memref<128x128xf32, #tpu.memory_space<vmem>>) dst(%dma_wait3A_201 : memref<128x128xf32, #tpu.memory_space<hbm>>)
      tpu.yield
    }) : () -> ()
    %add3A_165 = arith.constant 384 : i32
    %add3A_166 = arith.addi %mul3A_7, %add3A_165 : i32
    %run_scoped3A_167 = arith.constant 0 : i32
    "tpu.region"() ({
      %run_scoped3A_177 = tpu.sem_alloc : memref<!tpu.dma_semaphore, #tpu.memory_space<semaphore_mem>>
      %dma_start3A_178 = arith.constant 0 : i32
      %dma_start3A_179 = arith.constant 0 : i32
      %dma_start3A_180 = tpu.memref_slice %arg10[%run_scoped3A_167, %dma_start3A_178, %dma_start3A_179] : memref<2x128x128xf32, #tpu.memory_space<vmem>> -> memref<1x128x128xf32, #tpu.memory_space<vmem>>
      %dma_start3A_181 = tpu.memref_squeeze %dma_start3A_180 : memref<1x128x128xf32, #tpu.memory_space<vmem>> -> memref<128x128xf32, #tpu.memory_space<vmem>>
      %dma_start3A_182 = arith.constant 0 : i32
      %dma_start3A_183 = tpu.memref_slice %arg11[%add3A_166, %dma_start3A_182] : memref<10240x128xf32, #tpu.memory_space<vmem_shared>> -> memref<128x128xf32, #tpu.memory_space<vmem_shared>>
      %dma_start3A_184 = arith.constant 0 : i32
      %dma_start3A_185 = arith.constant 0 : i32
      %dma_start3A_186 = tpu.memref_slice %arg10[%run_scoped3A_167, %dma_start3A_184, %dma_start3A_185] : memref<2x128x128xf32, #tpu.memory_space<vmem>> -> memref<1x128x128xf32, #tpu.memory_space<vmem>>
      %dma_start3A_187 = tpu.memref_squeeze %dma_start3A_186 : memref<1x128x128xf32, #tpu.memory_space<vmem>> -> memref<128x128xf32, #tpu.memory_space<vmem>>
      %dma_start3A_188 = arith.constant 0 : i32
      %dma_start3A_189 = tpu.memref_slice %arg11[%add3A_166, %dma_start3A_188] : memref<10240x128xf32, #tpu.memory_space<vmem_shared>> -> memref<128x128xf32, #tpu.memory_space<vmem_shared>>
      tpu.enqueue_dma source(%dma_start3A_189 : memref<128x128xf32, #tpu.memory_space<vmem_shared>>) target(%dma_start3A_187 : memref<128x128xf32, #tpu.memory_space<vmem>>) target_semaphore(%run_scoped3A_177 : memref<!tpu.dma_semaphore, #tpu.memory_space<semaphore_mem>>)
      %dma_wait3A_190 = arith.constant 0 : i32
      %dma_wait3A_191 = arith.constant 0 : i32
      %dma_wait3A_192 = tpu.memref_slice %arg10[%run_scoped3A_167, %dma_wait3A_190, %dma_wait3A_191] : memref<2x128x128xf32, #tpu.memory_space<vmem>> -> memref<1x128x128xf32, #tpu.memory_space<vmem>>
      %dma_wait3A_193 = tpu.memref_squeeze %dma_wait3A_192 : memref<1x128x128xf32, #tpu.memory_space<vmem>> -> memref<128x128xf32, #tpu.memory_space<vmem>>
      %dma_wait3A_194 = arith.constant 0 : i32
      %dma_wait3A_195 = tpu.memref_slice %arg11[%add3A_166, %dma_wait3A_194] : memref<10240x128xf32, #tpu.memory_space<vmem_shared>> -> memref<128x128xf32, #tpu.memory_space<vmem_shared>>
      %dma_wait3A_196 = arith.constant 0 : i32
      %dma_wait3A_197 = arith.constant 0 : i32
      %dma_wait3A_198 = tpu.memref_slice %arg10[%run_scoped3A_167, %dma_wait3A_196, %dma_wait3A_197] : memref<2x128x128xf32, #tpu.memory_space<vmem>> -> memref<1x128x128xf32, #tpu.memory_space<vmem>>
      %dma_wait3A_199 = tpu.memref_squeeze %dma_wait3A_198 : memref<1x128x128xf32, #tpu.memory_space<vmem>> -> memref<128x128xf32, #tpu.memory_space<vmem>>
      %dma_wait3A_200 = arith.constant 0 : i32
      %dma_wait3A_201 = tpu.memref_slice %arg11[%add3A_166, %dma_wait3A_200] : memref<10240x128xf32, #tpu.memory_space<vmem_shared>> -> memref<128x128xf32, #tpu.memory_space<vmem_shared>>
      tpu.wait_dma2 semaphore(%run_scoped3A_177 : memref<!tpu.dma_semaphore, #tpu.memory_space<semaphore_mem>>) src(%dma_wait3A_201 : memref<128x128xf32, #tpu.memory_space<vmem_shared>>) dst(%dma_wait3A_199 : memref<128x128xf32, #tpu.memory_space<vmem>>)
      tpu.yield
    }) : () -> ()
    %add3A_168 = arith.constant 384 : i32
    %add3A_169 = arith.addi %mul3A_7, %add3A_168 : i32
    %run_scoped3A_170 = arith.constant 0 : i32
    "tpu.region"() ({
      %run_scoped3A_177 = tpu.sem_alloc : memref<!tpu.dma_semaphore, #tpu.memory_space<semaphore_mem>>
      %dma_start3A_178 = arith.constant 0 : i32
      %dma_start3A_179 = arith.constant 0 : i32
      %dma_start3A_180 = tpu.memref_slice %arg10[%run_scoped3A_170, %dma_start3A_178, %dma_start3A_179] : memref<2x128x128xf32, #tpu.memory_space<vmem>> -> memref<1x128x128xf32, #tpu.memory_space<vmem>>
      %dma_start3A_181 = tpu.memref_squeeze %dma_start3A_180 : memref<1x128x128xf32, #tpu.memory_space<vmem>> -> memref<128x128xf32, #tpu.memory_space<vmem>>
      %dma_start3A_182 = arith.constant 0 : i32
      %dma_start3A_183 = tpu.memref_slice %arg6[%arg0, %add3A_169, %dma_start3A_182] : memref<2x10240x128xf32, #tpu.memory_space<hbm>> -> memref<1x128x128xf32, #tpu.memory_space<hbm>>
      %dma_start3A_184 = tpu.memref_squeeze %dma_start3A_183 : memref<1x128x128xf32, #tpu.memory_space<hbm>> -> memref<128x128xf32, #tpu.memory_space<hbm>>
      %dma_start3A_185 = arith.constant 0 : i32
      %dma_start3A_186 = tpu.memref_slice %arg6[%arg0, %add3A_169, %dma_start3A_185] : memref<2x10240x128xf32, #tpu.memory_space<hbm>> -> memref<1x128x128xf32, #tpu.memory_space<hbm>>
      %dma_start3A_187 = tpu.memref_squeeze %dma_start3A_186 : memref<1x128x128xf32, #tpu.memory_space<hbm>> -> memref<128x128xf32, #tpu.memory_space<hbm>>
      %dma_start3A_188 = arith.constant 0 : i32
      %dma_start3A_189 = arith.constant 0 : i32
      %dma_start3A_190 = tpu.memref_slice %arg10[%run_scoped3A_170, %dma_start3A_188, %dma_start3A_189] : memref<2x128x128xf32, #tpu.memory_space<vmem>> -> memref<1x128x128xf32, #tpu.memory_space<vmem>>
      %dma_start3A_191 = tpu.memref_squeeze %dma_start3A_190 : memref<1x128x128xf32, #tpu.memory_space<vmem>> -> memref<128x128xf32, #tpu.memory_space<vmem>>
      tpu.enqueue_dma source(%dma_start3A_191 : memref<128x128xf32, #tpu.memory_space<vmem>>) target(%dma_start3A_187 : memref<128x128xf32, #tpu.memory_space<hbm>>) target_semaphore(%run_scoped3A_177 : memref<!tpu.dma_semaphore, #tpu.memory_space<semaphore_mem>>)
      %dma_wait3A_192 = arith.constant 0 : i32
      %dma_wait3A_193 = arith.constant 0 : i32
      %dma_wait3A_194 = tpu.memref_slice %arg10[%run_scoped3A_170, %dma_wait3A_192, %dma_wait3A_193] : memref<2x128x128xf32, #tpu.memory_space<vmem>> -> memref<1x128x128xf32, #tpu.memory_space<vmem>>
      %dma_wait3A_195 = tpu.memref_squeeze %dma_wait3A_194 : memref<1x128x128xf32, #tpu.memory_space<vmem>> -> memref<128x128xf32, #tpu.memory_space<vmem>>
      %dma_wait3A_196 = arith.constant 0 : i32
      %dma_wait3A_197 = tpu.memref_slice %arg6[%arg0, %add3A_169, %dma_wait3A_196] : memref<2x10240x128xf32, #tpu.memory_space<hbm>> -> memref<1x128x128xf32, #tpu.memory_space<hbm>>
      %dma_wait3A_198 = tpu.memref_squeeze %dma_wait3A_197 : memref<1x128x128xf32, #tpu.memory_space<hbm>> -> memref<128x128xf32, #tpu.memory_space<hbm>>
      %dma_wait3A_199 = arith.constant 0 : i32
      %dma_wait3A_200 = tpu.memref_slice %arg6[%arg0, %add3A_169, %dma_wait3A_199] : memref<2x10240x128xf32, #tpu.memory_space<hbm>> -> memref<1x128x128xf32, #tpu.memory_space<hbm>>
      %dma_wait3A_201 = tpu.memref_squeeze %dma_wait3A_200 : memref<1x128x128xf32, #tpu.memory_space<hbm>> -> memref<128x128xf32, #tpu.memory_space<hbm>>
      %dma_wait3A_202 = arith.constant 0 : i32
      %dma_wait3A_203 = arith.constant 0 : i32
      %dma_wait3A_204 = tpu.memref_slice %arg10[%run_scoped3A_170, %dma_wait3A_202, %dma_wait3A_203] : memref<2x128x128xf32, #tpu.memory_space<vmem>> -> memref<1x128x128xf32, #tpu.memory_space<vmem>>
      %dma_wait3A_205 = tpu.memref_squeeze %dma_wait3A_204 : memref<1x128x128xf32, #tpu.memory_space<vmem>> -> memref<128x128xf32, #tpu.memory_space<vmem>>
      tpu.wait_dma2 semaphore(%run_scoped3A_177 : memref<!tpu.dma_semaphore, #tpu.memory_space<semaphore_mem>>) src(%dma_wait3A_205 : memref<128x128xf32, #tpu.memory_space<vmem>>) dst(%dma_wait3A_201 : memref<128x128xf32, #tpu.memory_space<hbm>>)
      tpu.yield
    }) : () -> ()
    %add3A_171 = arith.constant 512 : i32
    %add3A_172 = arith.addi %mul3A_7, %add3A_171 : i32
    %run_scoped3A_173 = arith.constant 0 : i32
    "tpu.region"() ({
      %run_scoped3A_177 = tpu.sem_alloc : memref<!tpu.dma_semaphore, #tpu.memory_space<semaphore_mem>>
      %dma_start3A_178 = arith.constant 0 : i32
      %dma_start3A_179 = arith.constant 0 : i32
      %dma_start3A_180 = tpu.memref_slice %arg10[%run_scoped3A_173, %dma_start3A_178, %dma_start3A_179] : memref<2x128x128xf32, #tpu.memory_space<vmem>> -> memref<1x128x128xf32, #tpu.memory_space<vmem>>
      %dma_start3A_181 = tpu.memref_squeeze %dma_start3A_180 : memref<1x128x128xf32, #tpu.memory_space<vmem>> -> memref<128x128xf32, #tpu.memory_space<vmem>>
      %dma_start3A_182 = arith.constant 0 : i32
      %dma_start3A_183 = tpu.memref_slice %arg11[%add3A_172, %dma_start3A_182] : memref<10240x128xf32, #tpu.memory_space<vmem_shared>> -> memref<128x128xf32, #tpu.memory_space<vmem_shared>>
      %dma_start3A_184 = arith.constant 0 : i32
      %dma_start3A_185 = arith.constant 0 : i32
      %dma_start3A_186 = tpu.memref_slice %arg10[%run_scoped3A_173, %dma_start3A_184, %dma_start3A_185] : memref<2x128x128xf32, #tpu.memory_space<vmem>> -> memref<1x128x128xf32, #tpu.memory_space<vmem>>
      %dma_start3A_187 = tpu.memref_squeeze %dma_start3A_186 : memref<1x128x128xf32, #tpu.memory_space<vmem>> -> memref<128x128xf32, #tpu.memory_space<vmem>>
      %dma_start3A_188 = arith.constant 0 : i32
      %dma_start3A_189 = tpu.memref_slice %arg11[%add3A_172, %dma_start3A_188] : memref<10240x128xf32, #tpu.memory_space<vmem_shared>> -> memref<128x128xf32, #tpu.memory_space<vmem_shared>>
      tpu.enqueue_dma source(%dma_start3A_189 : memref<128x128xf32, #tpu.memory_space<vmem_shared>>) target(%dma_start3A_187 : memref<128x128xf32, #tpu.memory_space<vmem>>) target_semaphore(%run_scoped3A_177 : memref<!tpu.dma_semaphore, #tpu.memory_space<semaphore_mem>>)
      %dma_wait3A_190 = arith.constant 0 : i32
      %dma_wait3A_191 = arith.constant 0 : i32
      %dma_wait3A_192 = tpu.memref_slice %arg10[%run_scoped3A_173, %dma_wait3A_190, %dma_wait3A_191] : memref<2x128x128xf32, #tpu.memory_space<vmem>> -> memref<1x128x128xf32, #tpu.memory_space<vmem>>
      %dma_wait3A_193 = tpu.memref_squeeze %dma_wait3A_192 : memref<1x128x128xf32, #tpu.memory_space<vmem>> -> memref<128x128xf32, #tpu.memory_space<vmem>>
      %dma_wait3A_194 = arith.constant 0 : i32
      %dma_wait3A_195 = tpu.memref_slice %arg11[%add3A_172, %dma_wait3A_194] : memref<10240x128xf32, #tpu.memory_space<vmem_shared>> -> memref<128x128xf32, #tpu.memory_space<vmem_shared>>
      %dma_wait3A_196 = arith.constant 0 : i32
      %dma_wait3A_197 = arith.constant 0 : i32
      %dma_wait3A_198 = tpu.memref_slice %arg10[%run_scoped3A_173, %dma_wait3A_196, %dma_wait3A_197] : memref<2x128x128xf32, #tpu.memory_space<vmem>> -> memref<1x128x128xf32, #tpu.memory_space<vmem>>
      %dma_wait3A_199 = tpu.memref_squeeze %dma_wait3A_198 : memref<1x128x128xf32, #tpu.memory_space<vmem>> -> memref<128x128xf32, #tpu.memory_space<vmem>>
      %dma_wait3A_200 = arith.constant 0 : i32
      %dma_wait3A_201 = tpu.memref_slice %arg11[%add3A_172, %dma_wait3A_200] : memref<10240x128xf32, #tpu.memory_space<vmem_shared>> -> memref<128x128xf32, #tpu.memory_space<vmem_shared>>
      tpu.wait_dma2 semaphore(%run_scoped3A_177 : memref<!tpu.dma_semaphore, #tpu.memory_space<semaphore_mem>>) src(%dma_wait3A_201 : memref<128x128xf32, #tpu.memory_space<vmem_shared>>) dst(%dma_wait3A_199 : memref<128x128xf32, #tpu.memory_space<vmem>>)
      tpu.yield
    }) : () -> ()
    %add3A_174 = arith.constant 512 : i32
    %add3A_175 = arith.addi %mul3A_7, %add3A_174 : i32
    %run_scoped3A_176 = arith.constant 0 : i32
    "tpu.region"() ({
      %run_scoped3A_177 = tpu.sem_alloc : memref<!tpu.dma_semaphore, #tpu.memory_space<semaphore_mem>>
      %dma_start3A_178 = arith.constant 0 : i32
      %dma_start3A_179 = arith.constant 0 : i32
      %dma_start3A_180 = tpu.memref_slice %arg10[%run_scoped3A_176, %dma_start3A_178, %dma_start3A_179] : memref<2x128x128xf32, #tpu.memory_space<vmem>> -> memref<1x128x128xf32, #tpu.memory_space<vmem>>
      %dma_start3A_181 = tpu.memref_squeeze %dma_start3A_180 : memref<1x128x128xf32, #tpu.memory_space<vmem>> -> memref<128x128xf32, #tpu.memory_space<vmem>>
      %dma_start3A_182 = arith.constant 0 : i32
      %dma_start3A_183 = tpu.memref_slice %arg6[%arg0, %add3A_175, %dma_start3A_182] : memref<2x10240x128xf32, #tpu.memory_space<hbm>> -> memref<1x128x128xf32, #tpu.memory_space<hbm>>
      %dma_start3A_184 = tpu.memref_squeeze %dma_start3A_183 : memref<1x128x128xf32, #tpu.memory_space<hbm>> -> memref<128x128xf32, #tpu.memory_space<hbm>>
      %dma_start3A_185 = arith.constant 0 : i32
      %dma_start3A_186 = tpu.memref_slice %arg6[%arg0, %add3A_175, %dma_start3A_185] : memref<2x10240x128xf32, #tpu.memory_space<hbm>> -> memref<1x128x128xf32, #tpu.memory_space<hbm>>
      %dma_start3A_187 = tpu.memref_squeeze %dma_start3A_186 : memref<1x128x128xf32, #tpu.memory_space<hbm>> -> memref<128x128xf32, #tpu.memory_space<hbm>>
      %dma_start3A_188 = arith.constant 0 : i32
      %dma_start3A_189 = arith.constant 0 : i32
      %dma_start3A_190 = tpu.memref_slice %arg10[%run_scoped3A_176, %dma_start3A_188, %dma_start3A_189] : memref<2x128x128xf32, #tpu.memory_space<vmem>> -> memref<1x128x128xf32, #tpu.memory_space<vmem>>
      %dma_start3A_191 = tpu.memref_squeeze %dma_start3A_190 : memref<1x128x128xf32, #tpu.memory_space<vmem>> -> memref<128x128xf32, #tpu.memory_space<vmem>>
      tpu.enqueue_dma source(%dma_start3A_191 : memref<128x128xf32, #tpu.memory_space<vmem>>) target(%dma_start3A_187 : memref<128x128xf32, #tpu.memory_space<hbm>>) target_semaphore(%run_scoped3A_177 : memref<!tpu.dma_semaphore, #tpu.memory_space<semaphore_mem>>)
      %dma_wait3A_192 = arith.constant 0 : i32
      %dma_wait3A_193 = arith.constant 0 : i32
      %dma_wait3A_194 = tpu.memref_slice %arg10[%run_scoped3A_176, %dma_wait3A_192, %dma_wait3A_193] : memref<2x128x128xf32, #tpu.memory_space<vmem>> -> memref<1x128x128xf32, #tpu.memory_space<vmem>>
      %dma_wait3A_195 = tpu.memref_squeeze %dma_wait3A_194 : memref<1x128x128xf32, #tpu.memory_space<vmem>> -> memref<128x128xf32, #tpu.memory_space<vmem>>
      %dma_wait3A_196 = arith.constant 0 : i32
      %dma_wait3A_197 = tpu.memref_slice %arg6[%arg0, %add3A_175, %dma_wait3A_196] : memref<2x10240x128xf32, #tpu.memory_space<hbm>> -> memref<1x128x128xf32, #tpu.memory_space<hbm>>
      %dma_wait3A_198 = tpu.memref_squeeze %dma_wait3A_197 : memref<1x128x128xf32, #tpu.memory_space<hbm>> -> memref<128x128xf32, #tpu.memory_space<hbm>>
      %dma_wait3A_199 = arith.constant 0 : i32
      %dma_wait3A_200 = tpu.memref_slice %arg6[%arg0, %add3A_175, %dma_wait3A_199] : memref<2x10240x128xf32, #tpu.memory_space<hbm>> -> memref<1x128x128xf32, #tpu.memory_space<hbm>>
      %dma_wait3A_201 = tpu.memref_squeeze %dma_wait3A_200 : memref<1x128x128xf32, #tpu.memory_space<hbm>> -> memref<128x128xf32, #tpu.memory_space<hbm>>
      %dma_wait3A_202 = arith.constant 0 : i32
      %dma_wait3A_203 = arith.constant 0 : i32
      %dma_wait3A_204 = tpu.memref_slice %arg10[%run_scoped3A_176, %dma_wait3A_202, %dma_wait3A_203] : memref<2x128x128xf32, #tpu.memory_space<vmem>> -> memref<1x128x128xf32, #tpu.memory_space<vmem>>
      %dma_wait3A_205 = tpu.memref_squeeze %dma_wait3A_204 : memref<1x128x128xf32, #tpu.memory_space<vmem>> -> memref<128x128xf32, #tpu.memory_space<vmem>>
      tpu.wait_dma2 semaphore(%run_scoped3A_177 : memref<!tpu.dma_semaphore, #tpu.memory_space<semaphore_mem>>) src(%dma_wait3A_205 : memref<128x128xf32, #tpu.memory_space<vmem>>) dst(%dma_wait3A_201 : memref<128x128xf32, #tpu.memory_space<hbm>>)
      tpu.yield
    }) : () -> ()
    return
  }
}

module attributes {stable_mosaic.version = 14 : i64} {
  func.func @_mm_body(%arg0: i32, %arg1: memref<1000x128xf32, #tpu.memory_space<vmem>>, %arg2: memref<128x128xf32, #tpu.memory_space<vmem>>, %arg3: memref<1x128xf32, #tpu.memory_space<vmem>>, %arg4: memref<1000x128xf32, #tpu.memory_space<vmem>>) attributes {dimension_semantics = [#tpu.dimension_semantics<arbitrary>], iteration_bounds = array<i64: 10>, scalar_prefetch = 0 : i64, scratch_operands = 0 : i64, tpu.core_type = #tpu.core_type<tc>, window_params = [{transform_indices = @transform_0, window_bounds = array<i64: 1000, 128>}, {pipeline_mode = #tpu.pipeline_mode<synchronous>, transform_indices = @transform_1, window_bounds = array<i64: 128, 128>}, {pipeline_mode = #tpu.pipeline_mode<synchronous>, transform_indices = @transform_2, window_bounds = array<i64: 1, 128>}, {transform_indices = @transform_3, window_bounds = array<i64: 1000, 128>}]} {
    %get3A = arith.constant 0 : index
    %get3A_0 = arith.constant 0 : index
    %get3A_1 = vector.load %arg1[%get3A, %get3A_0] : memref<1000x128xf32, #tpu.memory_space<vmem>>, vector<1000x128xf32>
    %get3A_2 = arith.constant 0 : index
    %get3A_3 = arith.constant 0 : index
    %get3A_4 = vector.load %arg2[%get3A_2, %get3A_3] : memref<128x128xf32, #tpu.memory_space<vmem>>, vector<128x128xf32>
    %dot_general3A = arith.constant dense<0.000000e+00> : vector<1000x128xf32>
    %dot_general3A_5 = tpu.matmul %get3A_1, %get3A_4, %dot_general3A {dimension_numbers = #tpu.dot_dimension_numbers<[1], [0], [0], [1], [0, 0, 1, 1], [], []>, transpose_lhs_hint = false} : vector<1000x128xf32>, vector<128x128xf32>, vector<1000x128xf32> -> vector<1000x128xf32>
    %get3A_6 = arith.constant 0 : index
    %get3A_7 = arith.constant 0 : index
    %get3A_8 = vector.load %arg3[%get3A_6, %get3A_7] : memref<1x128xf32, #tpu.memory_space<vmem>>, vector<1x128xf32>
    %add3A = vector.broadcast %get3A_8 : vector<1x128xf32> to vector<1000x128xf32>
    %add3A_9 = arith.addf %dot_general3A_5, %add3A : vector<1000x128xf32>
    %swap3A = arith.constant 0 : index
    %swap3A_10 = arith.constant 0 : index
    %swap3A_11 = vector.load %arg4[%swap3A, %swap3A_10] : memref<1000x128xf32, #tpu.memory_space<vmem>>, vector<1000x128xf32>
    tpu.vector_store %arg4[%swap3A, %swap3A_10], %add3A_9 {strides = array<i32>} : memref<1000x128xf32, #tpu.memory_space<vmem>>, vector<1000x128xf32>,
    return
  }
  func.func @transform_0(%arg0: i32) -> (i32, i32) {
    %c0_i32 = arith.constant 0 : i32
    %c0_i32_0 = arith.constant 0 : i32
    return %arg0, %c0_i32 : i32, i32
  }
  func.func @transform_1(%arg0: i32) -> (i32, i32) {
    %c0_i32 = arith.constant 0 : i32
    %c0_i32_0 = arith.constant 0 : i32
    %c0_i32_1 = arith.constant 0 : i32
    return %c0_i32, %c0_i32_0 : i32, i32
  }
  func.func @transform_2(%arg0: i32) -> (i32, i32) {
    %c0_i32 = arith.constant 0 : i32
    %c0_i32_0 = arith.constant 0 : i32
    %c0_i32_1 = arith.constant 0 : i32
    return %c0_i32, %c0_i32_0 : i32, i32
  }
  func.func @transform_3(%arg0: i32) -> (i32, i32) {
    %c0_i32 = arith.constant 0 : i32
    %c0_i32_0 = arith.constant 0 : i32
    return %arg0, %c0_i32 : i32, i32
  }
}

module attributes {stable_mosaic.version = 14 : i64} {
  func.func @_comb_body(%arg0: i32, %arg1: memref<2x1000x128xf32, #tpu.memory_space<vmem>>, %arg2: memref<1000x128xf32, #tpu.memory_space<vmem>>) attributes {dimension_semantics = [#tpu.dimension_semantics<arbitrary>], iteration_bounds = array<i64: 10>, scalar_prefetch = 0 : i64, scratch_operands = 0 : i64, tpu.core_type = #tpu.core_type<tc>, window_params = [{transform_indices = @transform_0, window_bounds = array<i64: 2, 1000, 128>}, {transform_indices = @transform_1, window_bounds = array<i64: 1000, 128>}]} {
    %get3A = arith.constant 0 : index
    %get3A_0 = arith.constant 0 : index
    %get3A_1 = arith.constant 0 : index
    %get3A_2 = vector.load %arg1[%get3A, %get3A_0, %get3A_1] : memref<2x1000x128xf32, #tpu.memory_space<vmem>>, vector<1x1000x128xf32>
    %get3A_3 = vector.shape_cast %get3A_2 : vector<1x1000x128xf32> to vector<1000x128xf32>
    %get3A_4 = arith.constant 1 : index
    %get3A_5 = arith.constant 0 : index
    %get3A_6 = arith.constant 0 : index
    %get3A_7 = vector.load %arg1[%get3A_4, %get3A_5, %get3A_6] : memref<2x1000x128xf32, #tpu.memory_space<vmem>>, vector<1x1000x128xf32>
    %get3A_8 = vector.shape_cast %get3A_7 : vector<1x1000x128xf32> to vector<1000x128xf32>
    %add3A = arith.addf %get3A_3, %get3A_8 : vector<1000x128xf32>
    %max3A = arith.constant 0.000000e+00 : f32
    %max3A_9 = vector.broadcast %max3A : f32 to vector<1000x128xf32>
    %max3A_10 = arith.maximumf %add3A, %max3A_9 : vector<1000x128xf32>
    %swap3A = arith.constant 0 : index
    %swap3A_11 = arith.constant 0 : index
    %swap3A_12 = vector.load %arg2[%swap3A, %swap3A_11] : memref<1000x128xf32, #tpu.memory_space<vmem>>, vector<1000x128xf32>
    tpu.vector_store %arg2[%swap3A, %swap3A_11], %max3A_10 {strides = array<i32>} : memref<1000x128xf32, #tpu.memory_space<vmem>>, vector<1000x128xf32>,
    return
  }
  func.func @transform_0(%arg0: i32) -> (i32, i32, i32) {
    %c0_i32 = arith.constant 0 : i32
    %c0_i32_0 = arith.constant 0 : i32
    %c0_i32_1 = arith.constant 0 : i32
    return %c0_i32, %arg0, %c0_i32_0 : i32, i32, i32
  }
  func.func @transform_1(%arg0: i32) -> (i32, i32) {
    %c0_i32 = arith.constant 0 : i32
    %c0_i32_0 = arith.constant 0 : i32
    return %arg0, %c0_i32 : i32, i32
  }
}

</mosaic_0001>

<sc_bundles>
// kernel: kernel.5.cloned.1.call-start
scs
__scs_entry_jumppad:
0x0: {  	(pc) =	sbr.rel $0x88, $3  }
0x1: {  	(tag) =	ssettag $0x0;
	lr =	simm.s32 $0x1  }
0x2: {  	[smem:$0x3F9C] =	sst lr;
	_ =	strace $0xD0000000  }
0x3: {  	_ = 	snop  }
0x4: {  	_ = 	snop  }
0x5: {  	_ = 	snop  }
0x6: {  	_ = 	snop  }
0x7: {  	_ = 	snop  }
__scs_overlays_trampoline_lowered:
0x8: {  	[smem:$0x3FAB] =	sst s0  }
0x9: {  	[smem:$0x3FAC] =	sst s1  }
0xa: {  	[smem:$0x3FAD] =	sst s2  }
0xb: {  	[smem:$0x3FAE] =	sst s3  }
0xc: {  	[smem:$0x3FAF] =	sst s4  }
0xd: {  	[smem:$0x3FB0] =	sst s5  }
0xe: {  	[smem:$0x3FB1] =	sst s6  }
0xf: {  	[smem:$0x3FB2] =	sst s7  }
0x10: {  	[smem:$0x3FB3] =	sst s8  }
0x11: {  	[smem:$0x3FB4] =	sst s9;
	s0 =	simm.s32 @!p0 $0x0  }
0x12: {  	s1 =	sld [smem:$0x3F9A];
	s0 =	simm.s32 @p0 $0x1  }
0x13: {  	[smem:$0x3FB5] =	sst s0;
	s0 =	simm.s32 @!p1 $0x0  }
0x14: {  	s2 =	sld [smem:$0x3F99];
	s0 =	simm.s32 @p1 $0x1  }
0x15: {  	[smem:$0x3FB6] =	sst s0;
	s0 =	simm.s32 @!p2 $0x0  }
0x16: {  	s3 =	sld [smem:$0x3FDB];
	s0 =	simm.s32 @p2 $0x1  }
0x17: {  	s4 =	simm.s32 $0x1BF5;
	[smem:$0x3FB8] =	sst s0  }
0x18: {  	s0 =	sld [smem:$0x3F9B];
	_ =	swait.ge [sflag:s4], $0x0  }
0x19: {  	s7 =	sld [smem:$0x3F9C]  }
0x1a: {  	s8 =	sadd.s32 $0xFFFFE003, lr  }
0x1b: {  	s9 =	sadd.s32 $0xFFFFFEF7, lr;
	s5 =	simm.s32 $0xFFFFFFFF;
	p2 =	slt.u32 s8, $0xFFFFF086  }
0x1c: {  	p1 =	slt.u32 s9, $0xF7A;
	s5 =	simm.s32 @!p2 $0x0  }
0x1d: {  	s5 =	simm.s32 @p1 $0x1;
	p0 =	seq.s32 s7, s2  }
0x1e: {  	s7 =	smul.u32 @!p0 $0xF7A, s2;
	p2 =	seq.s32 @!p0 s5, $0x0  }
0x1f: {  	s9 =	smul.u32 $0xF7A, s1;
	s8 =	simm.s32 @!p0 $0x1BF5;
	p2 =	por !p2, p0  }
0x20: {  	[sflag:s8] =	ssyncset.s32 @!p0 $0xFFFFF086;
	s6 =	sadd.s32 @!p0 s3, s7;
	s7 =	simm.s32 @!p0 $0x108  }
0x21: {  	s3 =	sadd.s32 s3, s9;
	s6 =	sadd.s32 @!p0 $0x88, s6;
	s7 =	simm.s32 @p2 $0x1082  }
0x22: {  	[simem:s7], [sflag:s8] =	dma.local @!p0 [hbm:s6], $0xF7A  }
0x23: {  	s9 =	sor.u32 $0xD0000000, s2;
	s6 =	simm.s32 $0x108;
	_ =	swait.ge @!p0 [sflag:s8], $0x0  }
0x24: {  	s3 =	sadd.s32 $0x88, s3;
	s6 =	simm.s32 @!p1 $0x1082;
	[sflag:s4] =	ssyncset.s32 $0xFFFFF086  }
0x25: {  	[simem:s6], [sflag:s4] =	dma.local [hbm:s3], $0xF7A  }
0x26: {  	[smem:$0x3F9C] =	sst s1;
	(tag) =	ssettag s2;
	_ =	strace s9  }
0x27: {  	s1 =	sld [smem:$0x3FAC]  }
0x28: {  	s2 =	sld [smem:$0x3FAD]  }
0x29: {  	s4 =	sld [smem:$0x3FAF]  }
0x2a: {  	p0 =	seq.s32 s5, $0x0;
	s5 =	sld [smem:$0x3FB0]  }
0x2b: {  	s6 =	sld [smem:$0x3FB1]  }
0x2c: {  	s7 =	sld [smem:$0x3FB2]  }
0x2d: {  	s3 =	simm.s32 $0x108;
	s8 =	sld [smem:$0x3FB3]  }
0x2e: {  	s3 =	simm.s32 @!p0 $0x1082;
	s9 =	sld [smem:$0x3FB4]  }
0x2f: {  	lr =	sadd.s32 s0, s3;
	s0 =	sld [smem:$0x3FAB]  }
0x30: {  	s3 =	sld [smem:$0x3FAE]  }
0x31: {  	[smem:$0x3FB7] =	sst s10  }
0x32: {  	s10 =	sld [smem:$0x3FB5];
	_ =	sdelay $0x3  }
0x33: {  	p0 =	seq.s32 s10, $0x1;
	s10 =	sld [smem:$0x3FB7];
	_ =	sdelay $0x3  }
0x34: {  	[smem:$0x3FB7] =	sst s10  }
0x35: {  	s10 =	sld [smem:$0x3FB6];
	_ =	sdelay $0x3  }
0x36: {  	p1 =	seq.s32 s10, $0x1;
	s10 =	sld [smem:$0x3FB7];
	_ =	sdelay $0x3  }
0x37: {  	[smem:$0x3FB7] =	sst s10  }
0x38: {  	s10 =	sld [smem:$0x3FB8]  }
0x39: {  	_ = 	snop;
	(pc) =	sbr.ind lr, $3  }
0x3a: {  	_ = 	snop  }
0x3b: {  	_ = 	snop  }
0x3c: {  	p2 =	seq.s32 s10, $0x1;
	s10 =	sld [smem:$0x3FB7]  }
0x3d: {  	_ =	shalt  }
0x3e: {  	_ =	shalt  }
0x3f: {  	_ =	shalt  }
0x40: {  	_ =	shalt  }
0x41: {  	_ =	shalt  }
0x42: {  	_ =	shalt  }
0x43: {  	_ =	shalt  }
0x44: {  	_ =	shalt  }
0x45: {  	_ =	shalt  }
0x46: {  	_ =	shalt  }
0x47: {  	_ =	shalt  }
0x48: {  	_ =	shalt  }
0x49: {  	_ =	shalt  }
0x4a: {  	_ =	shalt  }
0x4b: {  	_ =	shalt  }
0x4c: {  	_ =	shalt  }
0x4d: {  	_ =	shalt  }
0x4e: {  	_ =	shalt  }
0x4f: {  	_ =	shalt  }
0x50: {  	_ =	shalt  }
0x51: {  	_ =	shalt  }
0x52: {  	_ =	shalt  }
0x53: {  	_ =	shalt  }
0x54: {  	_ =	shalt  }
0x55: {  	_ =	shalt  }
0x56: {  	_ =	shalt  }
0x57: {  	_ =	shalt  }
0x58: {  	_ =	shalt  }
0x59: {  	_ =	shalt  }
0x5a: {  	_ =	shalt  }
0x5b: {  	_ =	shalt  }
0x5c: {  	_ =	shalt  }
0x5d: {  	_ =	shalt  }
0x5e: {  	_ =	shalt  }
0x5f: {  	_ =	shalt  }
0x60: {  	_ =	shalt  }
0x61: {  	_ =	shalt  }
0x62: {  	_ =	shalt  }
0x63: {  	_ =	shalt  }
0x64: {  	_ =	shalt  }
0x65: {  	_ =	shalt  }
0x66: {  	_ =	shalt  }
0x67: {  	_ =	shalt  }
0x68: {  	_ =	shalt  }
0x69: {  	_ =	shalt  }
0x6a: {  	_ =	shalt  }
0x6b: {  	_ =	shalt  }
0x6c: {  	_ =	shalt  }
0x6d: {  	_ =	shalt  }
0x6e: {  	_ =	shalt  }
0x6f: {  	_ =	shalt  }
0x70: {  	_ =	shalt  }
0x71: {  	_ =	shalt  }
0x72: {  	_ =	shalt  }
0x73: {  	_ =	shalt  }
0x74: {  	_ =	shalt  }
0x75: {  	_ =	shalt  }
0x76: {  	_ =	shalt  }
0x77: {  	_ =	shalt  }
0x78: {  	_ =	shalt  }
0x79: {  	_ =	shalt  }
0x7a: {  	_ =	shalt  }
0x7b: {  	_ =	shalt  }
0x7c: {  	_ =	shalt  }
0x7d: {  	_ =	shalt  }
0x7e: {  	_ =	shalt  }
0x7f: {  	_ =	shalt  }
0x80: {  	_ =	shalt  }
0x81: {  	_ =	shalt  }
0x82: {  	_ =	shalt  }
0x83: {  	_ =	shalt  }
0x84: {  	_ =	shalt  }
0x85: {  	_ =	shalt  }
0x86: {  	_ =	shalt  }
0x87: {  	_ =	shalt  }
.Lfunc_end0:
.L_simem_size_0:
called_computation_lowered:
.L_overlay_start_0:
0x88: {  	s2 =	sld [smem:$0x3FD9]  }
0x89: {  	s3 =	sld [smem:$0x3FFE];
	_ =	sdelay $0x1  }
0x8a: {  	s1 =	srdreg.scid  }
0x8b: {  	s0 =	sand.u32 $0x1, s1  }
0x8c: {  	s17 =	sshll.u32 s0, $0xA;
	s2 =	sadd.s32 s3, s2  }
0x8d: {  	s2 =	sadd.s32 s2, s17  }
0x8e: {  	[smem:$0x3FC3] =	sst s2  }
0x8f: {  	_ = 	snop  }
0x90: {  	s2 =	sld [smem:$0x3FD0];
	(tm) =	ssettm $0x1  }
0x91: {  	s18 =	sld [smem:$0x3FFB];
	_ =	sdelay $0x3  }
0x92: {  	_ =	strace s18  }
0x93: {  	s3 =	sld [smem:$0x3FFC];
	_ =	sdelay $0x3  }
0x94: {  	_ =	strace s3  }
0x95: {  	s3 =	sld [smem:$0x3FFD];
	_ =	sdelay $0x3  }
0x96: {  	_ =	strace s3  }
0x97: {  	_ =	strace $0x8FFFFFFF  }
0x98: {  	s19 =	sld [smem:$0x3FDB];
	_ =	sdelay $0x1  }
0x99: {  	s4 =	simm.s32 $_scs_section_size  }
0x9a: {  	s5 =	simm.s32 $_size__tile_overlayer_lowered;
	s6 =	simm.s32 $_tile_overlayer_lowered  }
0x9b: {  	s22 =	simm.s32 $0x1BFF;
	s21 =	sshll.u32 s6, $0x1;
	s3 =	sadd.s32 s4, s19  }
0x9c: {  	s7 =	simm.s32 $0x0;
	s20 =	sshll.u32 s5, $0x1;
	s5 =	sadd.s32 s21, s3  }
0x9d: {  	[timem:s7], [sflag:s22] =	dma.local [hbm:s5], s20  }
0x9e: {  	_ =	swait.ge [sflag:s22], s20  }
0x9f: {  	s4 =	ssub.s32 $0x0, s20;
	[sflag:s22] =	ssyncset.done $0x0  }
0xa0: {  	[sflag:s22] =	ssyncadd.s32 s4;
	_ =	sdelay $0x1  }
0xa1: {  	s23 =	simm.s32 $0x1B8B  }
0xa2: {  	_ =	swait.ge [sflag:s23], $0x1  }
0xa3: {  	[sflag:s23] =	ssyncset.done $0x0  }
0xa4: {  	s25 =	simm.s32 $0x1B8E;
	s24 =	sld [smem:$0x3FFE];
	[sflag:s23] =	ssyncadd.s32 $0xFFFFFFFF  }
0xa5: {  	s26 =	simm.s32 $execute0_lowered;
	[smem:$0x3FD2] =	sst s25  }
0xa6: {  	s5 =	sshll.u32 s26, $0x1;
	_ =	strace $0x80000046;
	[dreg:$0x1] =	wrdreg $0xFFFFFFFF  }
0xa7: {  	s28 =	simm.s32 $_size_execute0_lowered;
	s3 =	sadd.s32 s3, s5;
	[dreg:$0x0] =	wrdreg $0x0  }
0xa8: {  	s5 =	sshll.u32 s28, $0x1;
	[dreg:$0x2] =	wrdreg s3  }
0xa9: {  	[dreg:$0x3] =	wrdreg s5  }
0xaa: {  	[dreg:$0x4] =	wrdreg $0xC0  }
0xab: {  	_ =	task [dreg:s7], $0x5FFFF  }
0xac: {  	[dreg:$0x1] =	wrdreg $0xFFFFFFFF  }
0xad: {  	[dreg:$0x0] =	wrdreg $0x60  }
0xae: {  	[dreg:$0x2] =	wrdreg s2  }
0xaf: {  	[dreg:$0x3] =	wrdreg s24  }
0xb0: {  	[dreg:$0x4] =	wrdreg $0xB0000  }
0xb1: {  	[dreg:$0x5] =	wrdreg $0x9  }
0xb2: {  	_ =	task.clear_ibuf [dreg:s7], $0x6FFFF;
	_ =	strace $0x90000046  }
0xb3: {  	s29 =	simm.s32 $0x9;
	_ =	strace $0x80000048  }
0xb4: {  	_ =	swait.ge [sflag:s29], $0x1  }
0xb5: {  	[sflag:s29] =	ssyncadd.s32 $0xFFFFFFFF  }
0xb6: {  	_ =	strace $0x90000048  }
0xb7: {  	_ =	sfence  }
0xb8: {  	s30 =	sld [smem:$0x0];
	_ =	sdelay $0x2  }
0xb9: {  	s31 =	sshll.u32 s1, $0xD;
	s1 =	sshrl.u32 s1, $0x2  }
0xba: {  	s3 =	sand.u32 $0x4000, s31;
	s1 =	sadd.s32 s1, s30  }
0xbb: {  	s0 =	sor.u32 s3, s0;
	s1 =	sshll.u32 s1, $0x11  }
0xbc: {  	s0 =	sor.u32 s1, s0  }
0xbd: {  	s0 =	sadd.s32 $0x8F2B, s0  }
0xbe: {  	[sflag:s0] =	ssyncadd.remote.s32 $0x1  }
0xbf: {  	_ =	sfence.sel $0xFFFF  }
0xc0: {  	[dreg:$0x0] =	wrdreg $0xFFFFFFFF;
	(pc) =	sbr.abs _section_cstart, $3  }
0xc1: {  	[dreg:$0x1] =	wrdreg $0xFFFFFFFF  }
0xc2: {  	_ =	task.clear_ibuf [dreg:s7], $0x2FFFF;
	_ =	strace $0x9FFFFFFF  }
0xc3: {  	(tm) =	ssettm $0x7FFFFFFF  }
tec
execute0_lowered:
.L_overlay_start_1:
0x0: {  	(tag) =	ssettag $0x1  }
0x1: {  	s1 =	rddreg [dreg:$0x0]  }
0x2: {  	s0 =	rddreg [dreg:$0x1]  }
0x3: {  	s2 =	rddreg [dreg:$0x2];
	s3 =	simm.s32 $0x0  }
0x4: {  	s4 =	srdreg.scid;
	s11 =	stileid.u32;
	s28 =	simm.s32 $0x4  }
0x5: {  	s29 =	simm.s32 $0x80;
	s30 =	simm.s32 $0x1;
	s31 =	simm.s32 $0x2  }
0x6: {  	[smem:$0x7FF] =	sst s3;
	s5 =	sadd.s32 $0x15000, s0;
	s6 =	sadd.s32 $0xB000, s0  }
0x7: {  	s4 =	sand.u32 $0x1, s4;
	s7 =	sadd.s32 $0x1000, s0;
	s9 =	smul.u32 $0x50000, s11  }
0x8: {  	s0 =	sadd.s32 $0x1F000, s0;
	s13 =	smul.u32 $0x14000, s11;
	_ =	strace $0x80000047  }
0x9: {  	s8 =	ssub.s32 $0x2, s4;
	s21 =	sshll.u32 s4, $0x4;
	s4 =	smul.u32 $0x140000, s4  }
0xa: {  	s10 =	sshrl.u32 s8, $0x1;
	s9 =	sshrl.u32 s9, $0x2;
	s16 =	sor.u32 s11, s21  }
0xb: {  	s17 =	sadd.s32 $0x4000, s13;
	s19 =	sadd.s32 $0x8000, s13;
	s20 =	sadd.s32 $0xC000, s13  }
0xc: {  	s21 =	sadd.s32 $0x10000, s13;
	s14 =	ssub.s32 s8, s10;
	s8 =	sadd.s32 s9, s2  }
0xd: {  	s9 =	sadd.s32 s17, s2;
	s15 =	smul.u32 $0x500, s16;
	s10 =	sadd.s32 s19, s2  }
0xe: {  	s11 =	sadd.s32 s20, s2;
	s12 =	sadd.s32 s21, s2;
	s13 =	sadd.s32 s13, s4  }
0xf: {  	s23 =	sadd.s32 s4, s17;
	s16 =	smul.u32 $0x2800, s16;
	s25 =	sadd.s32 s4, s19  }
0x10: {  	s26 =	sadd.s32 s4, s20;
	s4 =	sadd.s32 s4, s21;
	s13 =	sshrl.u32 s13, $0x3  }
0x11: {  	s24 =	sshrl.u32 s23, $0x3;
	s20 =	sshrl.u32 s26, $0x3;
	s4 =	sshrl.u32 s4, $0x3  }
0x12: {  	s23 =	simm.s32 $0x3000;
	s18 =	sadd.s32 s5, s15;
	s22 =	sadd.s32 s6, s15  }
0x13: {  	s15 =	sadd.s32 s7, s15;
	s13 =	sadd.s32 s0, s13;
	[dreg:$0x4] =	wrdreg s18  }
.Ltmp0:
0x14: {  	s20 =	sadd.s32 s0, s20;
	[dreg:$0x5] =	wrdreg s22;
	(pc) =	sbr.rel .LBB2_1-.Ltmp0, $4  }
0x15: {  	s21 =	sadd.s32 s0, s4;
	[dreg:$0x7] =	wrdreg s13;
	s13 =	sadd.s32 s0, s24  }
0x16: {  	s4 =	simm.s32 $0x0;
	[dreg:$0x8] =	wrdreg s13;
	s13 =	sshrl.u32 s25, $0x3  }
0x17: {  	[dreg:$0x6] =	wrdreg s15;
	s22 =	smax.u32 s14, $0x1;
	s13 =	sadd.s32 s0, s13  }
0x18: {  	v0 =	vimm.f32 $0.0e+00;
	s24 =	simm.s32 $0x5;
	s0 =	simm.s32 $0x3;
	[dreg:$0x9] =	wrdreg s13  }
.LBB2_9:
0x19: {  	_ =	swait.ge [sflag:s31], $0x4000  }
0x1a: {  	[sflag:s31] =	ssyncset.done $0x0  }
0x1b: {  	[sflag:s31] =	ssyncadd.s32 $0xFFFFC000  }
0x1c: {  	_ =	swait.ge [sflag:s0], $0x4000  }
0x1d: {  	[sflag:s0] =	ssyncset.done $0x0  }
0x1e: {  	[sflag:s0] =	ssyncadd.s32 $0xFFFFC000  }
0x1f: {  	[bflag:$0x0] =	sbarrier.arrive $0xFFFF  }
0x20: {  	[tilespmem:s23], [sflag:$0x5] =	stream.linear.gather [spmem:s8], $0x4000, $0x38;
	[tilespmem:$0x1F000] =	vst v63  }
0x21: {  	_ =	swait.ge [sflag:s24], $0x4000  }
0x22: {  	[sflag:s24] =	ssyncset.done $0x0  }
0x23: {  	s13 =	rddreg [dreg:$0x7];
	[sflag:s24] =	ssyncadd.s32 $0xFFFFC000  }
0x24: {  	[hbm4b:s13+s3] =	stream.linear.scatter [tilespmem:s23], [sflag:$0x5], $0x4000, $0x38;
	[tilespmem:$0x1F000] =	vst v63  }
0x25: {  	_ =	swait.ge [sflag:s24], $0x4000  }
0x26: {  	[sflag:s24] =	ssyncset.done $0x0  }
0x27: {  	[sflag:s24] =	ssyncadd.s32 $0xFFFFC000  }
0x28: {  	[tilespmem:s23], [sflag:$0x5] =	stream.linear.gather [spmem:s9], $0x4000, $0x38;
	[tilespmem:$0x1F000] =	vst v63  }
0x29: {  	_ =	swait.ge [sflag:s24], $0x4000  }
0x2a: {  	[sflag:s24] =	ssyncset.done $0x0  }
0x2b: {  	s25 =	rddreg [dreg:$0x8];
	[sflag:s24] =	ssyncadd.s32 $0xFFFFC000  }
0x2c: {  	[hbm4b:s25+s3] =	stream.linear.scatter [tilespmem:s23], [sflag:$0x5], $0x4000, $0x38;
	[tilespmem:$0x1F000] =	vst v63  }
0x2d: {  	_ =	swait.ge [sflag:s24], $0x4000  }
0x2e: {  	[sflag:s24] =	ssyncset.done $0x0  }
0x2f: {  	[sflag:s24] =	ssyncadd.s32 $0xFFFFC000  }
0x30: {  	[tilespmem:s23], [sflag:$0x5] =	stream.linear.gather [spmem:s10], $0x4000, $0x38;
	[tilespmem:$0x1F000] =	vst v63  }
0x31: {  	_ =	swait.ge [sflag:s24], $0x4000  }
0x32: {  	[sflag:s24] =	ssyncset.done $0x0  }
0x33: {  	s26 =	rddreg [dreg:$0x9];
	[sflag:s24] =	ssyncadd.s32 $0xFFFFC000  }
0x34: {  	[hbm4b:s26+s3] =	stream.linear.scatter [tilespmem:s23], [sflag:$0x5], $0x4000, $0x38;
	[tilespmem:$0x1F000] =	vst v63  }
0x35: {  	_ =	swait.ge [sflag:s24], $0x4000  }
0x36: {  	[sflag:s24] =	ssyncset.done $0x0  }
0x37: {  	[sflag:s24] =	ssyncadd.s32 $0xFFFFC000  }
0x38: {  	[tilespmem:s23], [sflag:$0x5] =	stream.linear.gather [spmem:s11], $0x4000, $0x38;
	[tilespmem:$0x1F000] =	vst v63  }
0x39: {  	_ =	swait.ge [sflag:s24], $0x4000  }
0x3a: {  	[sflag:s24] =	ssyncset.done $0x0  }
0x3b: {  	[sflag:s24] =	ssyncadd.s32 $0xFFFFC000  }
0x3c: {  	[hbm4b:s20+s3] =	stream.linear.scatter [tilespmem:s23], [sflag:$0x5], $0x4000, $0x38;
	[tilespmem:$0x1F000] =	vst v63  }
0x3d: {  	_ =	swait.ge [sflag:s24], $0x4000  }
0x3e: {  	[sflag:s24] =	ssyncset.done $0x0  }
0x3f: {  	[sflag:s24] =	ssyncadd.s32 $0xFFFFC000  }
0x40: {  	[tilespmem:s23], [sflag:$0x5] =	stream.linear.gather [spmem:s12], $0x4000, $0x38;
	[tilespmem:$0x1F000] =	vst v63  }
0x41: {  	s4 =	sadd.s32 $0x1, s4;
	_ =	swait.ge [sflag:s24], $0x4000  }
0x42: {  	p0 =	sne.s32 s4, s22;
	[sflag:s24] =	ssyncset.done $0x0  }
.Ltmp1:
0x43: {  	[sflag:s24] =	ssyncadd.s32 $0xFFFFC000;
	(pc) =	sbr.rel @!p0 .LBB2_10-.Ltmp1, $4  }
0x44: {  	[hbm4b:s21+s3] =	stream.linear.scatter [tilespmem:s23], [sflag:$0x5], $0x4000, $0x38;
	[tilespmem:$0x1F000] =	vst v63  }
0x45: {  	_ =	swait.ge [sflag:s24], $0x4000  }
0x46: {  	[sflag:s24] =	ssyncset.done $0x0  }
0x47: {  	[sflag:s24] =	ssyncadd.s32 $0xFFFFC000  }
.LBB2_1:
0x48: {  	s13 =	simm.s32 $0x0;
	s14 =	simm.s32 $0x200  }
.LBB2_2:
0x49: {  	p0 =	sne.s32 s14, $0xFE00;
	[tilespmem:s13+$0x3070] =	vst v0  }
0x4a: {  	[tilespmem:s13+$0x3000] =	vst v0  }
0x4b: {  	[tilespmem:s13+$0x3010] =	vst v0  }
.Ltmp2:
0x4c: {  	[tilespmem:s13+$0x3020] =	vst v0;
	(pc) =	sbr.rel @p0 .LBB2_2-.Ltmp2, $4  }
0x4d: {  	[tilespmem:s13+$0x3030] =	vst v0  }
0x4e: {  	[tilespmem:s13+$0x3040] =	vst v0  }
0x4f: {  	[tilespmem:s13+$0x3050] =	vst v0  }
0x50: {  	[tilespmem:s13+$0x3060] =	vst v0;
	s13 =	sshra.s32 s14, $0x2;
	s14 =	sadd.s32 $0x200, s14  }
0x51: {  	[tilespmem:s13+$0x3070] =	vst v0  }
0x52: {  	[tilespmem:s13+$0x3000] =	vst v0  }
0x53: {  	[tilespmem:s13+$0x3010] =	vst v0  }
0x54: {  	[tilespmem:s13+$0x3020] =	vst v0  }
0x55: {  	[tilespmem:s13+$0x3030] =	vst v0  }
0x56: {  	[tilespmem:s13+$0x3040] =	vst v0  }
0x57: {  	[tilespmem:s13+$0x3050] =	vst v0  }
0x58: {  	[tilespmem:s13+$0x3060] =	vst v0  }
0x59: {  	[spmem:s8] =	stream.linear.scatter [tilespmem:s23], [sflag:$0x5], $0x4000, $0x38;
	[tilespmem:$0x1F000] =	vst v63  }
0x5a: {  	_ =	swait.ge [sflag:s24], $0x4000  }
0x5b: {  	[sflag:s24] =	ssyncset.done $0x0  }
0x5c: {  	[sflag:s24] =	ssyncadd.s32 $0xFFFFC000  }
0x5d: {  	[spmem:s9] =	stream.linear.scatter [tilespmem:s23], [sflag:$0x5], $0x4000, $0x38;
	[tilespmem:$0x1F000] =	vst v63  }
0x5e: {  	_ =	swait.ge [sflag:s24], $0x4000  }
0x5f: {  	[sflag:s24] =	ssyncset.done $0x0  }
0x60: {  	[sflag:s24] =	ssyncadd.s32 $0xFFFFC000  }
0x61: {  	[spmem:s10] =	stream.linear.scatter [tilespmem:s23], [sflag:$0x5], $0x4000, $0x38;
	[tilespmem:$0x1F000] =	vst v63  }
0x62: {  	_ =	swait.ge [sflag:s24], $0x4000  }
0x63: {  	[sflag:s24] =	ssyncset.done $0x0  }
0x64: {  	[sflag:s24] =	ssyncadd.s32 $0xFFFFC000  }
0x65: {  	[spmem:s11] =	stream.linear.scatter [tilespmem:s23], [sflag:$0x5], $0x4000, $0x38;
	[tilespmem:$0x1F000] =	vst v63  }
0x66: {  	_ =	swait.ge [sflag:s24], $0x4000  }
0x67: {  	[sflag:s24] =	ssyncset.done $0x0  }
0x68: {  	[sflag:s24] =	ssyncadd.s32 $0xFFFFC000  }
0x69: {  	[spmem:s12] =	stream.linear.scatter [tilespmem:s23], [sflag:$0x5], $0x4000, $0x38;
	[tilespmem:$0x1F000] =	vst v63  }
0x6a: {  	_ =	swait.ge [sflag:s24], $0x4000  }
0x6b: {  	[sflag:s24] =	ssyncset.done $0x0  }
0x6c: {  	[sflag:s24] =	ssyncadd.s32 $0xFFFFC000  }
0x6d: {  	[bflag:$0x0] =	sbarrier.arrive $0xFFFF  }
0x6e: {  	s25 =	simm.s32 $0x0;
	s17 =	rddreg [dreg:$0x4]  }
0x6f: {  	[tilespmem:s25], [sflag:$0x4] =	stream.linear.gather [hbm4b:s17+s25], $0x800, $0x38;
	[tilespmem:$0x1F000] =	vst v63  }
0x70: {  	s14 =	simm.s32 $0x1000;
	s18 =	rddreg [dreg:$0x5]  }
0x71: {  	[tilespmem:s14], [sflag:$0x4] =	stream.linear.gather [hbm4b:s18+s25], $0x800, $0x38;
	[tilespmem:$0x1F000] =	vst v63  }
0x72: {  	s26 =	simm.s32 $0x2000;
	s19 =	rddreg [dreg:$0x6]  }
0x73: {  	[tilespmem:s26], [sflag:$0x4] =	stream.linear.gather [hbm4b:s19+s25], $0x800, $0x38;
	[tilespmem:$0x1F000] =	vst v63  }
0x74: {  	_ =	swait.ge [sflag:s28], $0x800  }
0x75: {  	[sflag:s28] =	ssyncset.done $0x0  }
0x76: {  	[sflag:s28] =	ssyncadd.s32 $0xFFFFF800  }
0x77: {  	_ =	swait.ge [sflag:s28], $0x800  }
0x78: {  	[sflag:s28] =	ssyncset.done $0x0  }
.Ltmp3:
0x79: {  	[sflag:s28] =	ssyncadd.s32 $0xFFFFF800;
	(pc) =	sbr.rel .LBB2_4-.Ltmp3, $4  }
0x7a: {  	_ =	swait.ge [sflag:s28], $0x800  }
0x7b: {  	[sflag:s28] =	ssyncset.done $0x0  }
0x7c: {  	s26 =	simm.s32 $0x0;
	[sflag:s28] =	ssyncadd.s32 $0xFFFFF800  }
0x7d: {  	[tilespmem:s23], [sflag:$0x1] =	stream.indirect.gather [hbm4b:s1+s29], $0x80, s25, s29, $0xb8;
	[tilespmem:$0x1F000] =	vst v63  }
.LBB2_7:
0x7e: {  	s15 =	sshll.u32 s14, $0xE;
	s17 =	sadd.s32 $0x200, s25  }
0x7f: {  	s15 =	sxor.u32 $0x4000, s15;
	s17 =	sand.u32 $0x3E00, s17  }
0x80: {  	s15 =	sor.u32 $0x3000, s15;
	s17 =	sshrl.u32 s17, $0x2  }
0x81: {  	[tilespmem:s15], [sflag:$0x1] =	stream.indirect.gather [hbm4b:s1+s29], $0x80, s17, s29, $0xb8;
	[tilespmem:$0x1F000] =	vst v63  }
.LBB2_8:
0x82: {  	_ =	swait.ge [sflag:s30], $0x4000;
	s13 =	sshll.u32 s13, $0xB;
	s15 =	sand.u32 $0x1E00, s25  }
0x83: {  	p0 =	seq.s32 s14, $0x1;
	s13 =	sand.u32 $0x800, s13;
	s15 =	sshrl.u32 s15, $0x2  }
0x84: {  	[sflag:s30] =	ssyncset.done $0x0;
	s14 =	simm.s32 @p0 $0x80;
	s13 =	sor.u32 s15, s13  }
0x85: {  	[sflag:s30] =	ssyncadd.s32 $0xFFFFC000;
	s15 =	simm.s32 @p0 $0x7000;
	s13 =	sor.u32 $0x1000, s13  }
0x86: {  	[spmem:s2] =	stream.indirect.scatter.add.f32 @p0 [tilespmem:s15], [sflag:$0x3], $0x80, s13, s14, $0xb8;
	[tilespmem:$0x1F000] =	vst v63  }
0x87: {  	s25 =	sadd.s32 $0x200, s25;
	s14 =	simm.s32 @!p0 $0x80;
	s15 =	simm.s32 @!p0 $0x3000  }
0x88: {  	[spmem:s2] =	stream.indirect.scatter.add.f32 @!p0 [tilespmem:s15], [sflag:$0x2], $0x80, s13, s14, $0xb8;
	[tilespmem:$0x1F000] =	vst v63  }
0x89: {  	p0 =	sne.s32 s25, $0xA000  }
.Ltmp4:
0x8a: {  	_ = 	snop;
	(pc) =	sbr.rel @!p0 .LBB2_9-.Ltmp4, $2  }
0x8b: {  	_ =	sdelay $0x2  }
0x8c: {  	s26 =	sadd.s32 $0x1, s26  }
.LBB2_4:
0x8d: {  	s13 =	sand.u32 $0x4F, s26  }
0x8e: {  	p1 =	seq.s32 s13, $0xF  }
0x8f: {  	s14 =	simm.s32 @p1 $0x4  }
0x90: {  	_ =	swait.ge @p1 [sflag:s14], $0x800  }
0x91: {  	[sflag:s14] =	ssyncset.done @p1 $0x0  }
0x92: {  	[sflag:s14] =	ssyncadd.s32 @p1 $0xFFFFF800  }
0x93: {  	p0 =	sne.s32 @!p1 s13, $0x2;
	_ =	swait.ge @p1 [sflag:s14], $0x800  }
0x94: {  	s13 =	sshrl.u32 s26, $0x4;
	p0 =	por p0, p1;
	[sflag:s14] =	ssyncset.done @p1 $0x0  }
0x95: {  	s15 =	sshll.u32 @!p0 s13, $0xB;
	[sflag:s14] =	ssyncadd.s32 @p1 $0xFFFFF800  }
0x96: {  	s15 =	sadd.s32 @!p0 $0x800, s15;
	_ =	swait.ge @p1 [sflag:s14], $0x800  }
0x97: {  	s17 =	sadd.s32 @!p0 s16, s15;
	[sflag:s14] =	ssyncset.done @p1 $0x0  }
0x98: {  	[sflag:s14] =	ssyncadd.s32 @p1 $0xFFFFF800;
	s14 =	sshrl.u32 @!p0 s17, $0x3  }
0x99: {  	s18 =	simm.s32 @!p0 $0x0;
	s15 =	sand.u32 @!p0 $0x800, s15;
	s17 =	sadd.s32 @!p0 s5, s14  }
0x9a: {  	[tilespmem:s15], [sflag:$0x4] =	stream.linear.gather @!p0 [hbm4b:s17+s18], $0x800, $0x38;
	[tilespmem:$0x1F000] =	vst v63  }
0x9b: {  	s19 =	sadd.s32 @!p0 s6, s14;
	s17 =	sor.u32 @!p0 $0x1000, s15  }
0x9c: {  	[tilespmem:s17], [sflag:$0x4] =	stream.linear.gather @!p0 [hbm4b:s19+s18], $0x800, $0x38;
	[tilespmem:$0x1F000] =	vst v63  }
0x9d: {  	s14 =	sadd.s32 @!p0 s7, s14;
	s15 =	sor.u32 @!p0 $0x2000, s15  }
0x9e: {  	[tilespmem:s15], [sflag:$0x4] =	stream.linear.gather @!p0 [hbm4b:s14+s18], $0x800, $0x38;
	[tilespmem:$0x1F000] =	vst v63  }
0x9f: {  	p0 =	seq.s32 s26, $0x0  }
.Ltmp5:
0xa0: {  	_ = 	snop;
	(pc) =	sbr.rel @p0 .LBB2_7-.Ltmp5, $2  }
0xa1: {  	_ =	sdelay $0x2  }
0xa2: {  	s14 =	sand.u32 $0x1, s26  }
0xa3: {  	p0 =	seq.s32 s26, $0x4F  }
.Ltmp6:
0xa4: {  	_ = 	snop;
	(pc) =	sbr.rel @p0 .LBB2_8-.Ltmp6, $1  }
0xa5: {  	_ =	sdelay $0x3  }
.Ltmp7:
0xa6: {  	p0 =	seq.s32 s14, $0x0;
	s15 =	simm.s32 $0x3;
	(pc) =	sbr.rel .LBB2_7-.Ltmp7, $4  }
0xa7: {  	s15 =	simm.s32 @!p0 $0x2  }
0xa8: {  	_ =	swait.ge [sflag:s15], $0x4000  }
0xa9: {  	[sflag:s15] =	ssyncset.done $0x0  }
0xaa: {  	[sflag:s15] =	ssyncadd.s32 $0xFFFFC000  }
.LBB2_10:
0xab: {  	_ =	sfence.sel $0x180000  }
0xac: {  	[bflag:$0x0] =	sbarrier.arrive $0xFFFF  }
0xad: {  	_ =	strace $0x90000047  }
0xae: {  	s0 =	stileid.u32;
	[bflag:$0x2] =	sbarrier.arrive $0xFFFF  }
0xaf: {  	p0 =	sne.s32 s0, $0x0;
	s0 =	rddreg [dreg:$0x3]  }
0xb0: {  	s0 =	sadd.s32 @!p0 $0x100000, s0  }
0xb1: {  	[sflag:s0] =	ssyncadd.tile.s32 @!p0 $0x1;
	_ =	shalt  }
.Lfunc_end2:
_tile_overlayer_lowered:
.L_overlay_start_2:
0xb2: {  	(tag) =	ssettag $0x2  }
0xb3: {  	s0 =	rddreg [dreg:$0x0];
	s2 =	stileid.u32  }
0xb4: {  	s1 =	rddreg [dreg:$0x1];
	p0 =	sne.s32 s2, $0x0  }
0xb5: {  	s3 =	rddreg [dreg:$0x2];
	[bflag:$0x3] =	sbarrier.arrive $0xFFFF;
	s2 =	simm.s32 @!p0 $0x1C05  }
0xb6: {  	[timem:s3], [sflag:s2] =	dma.local @!p0 [hbm:s0], s1  }
0xb7: {  	s0 =	simm.s32 @!p0 $0x5  }
0xb8: {  	_ =	swait.ge @!p0 [sflag:s0], s1  }
0xb9: {  	s1 =	ssub.s32 @!p0 $0x0, s1;
	[sflag:s0] =	ssyncset.done @!p0 $0x0  }
0xba: {  	[sflag:s0] =	ssyncadd.s32 @!p0 s1  }
0xbb: {  	[bflag:$0x3] =	sbarrier.arrive $0xFFFF  }
0xbc: {  	_ =	shalt  }

</sc_bundles>
